<compile_context>
chip_gen: v7x
topology: tpu7x:2x2x1
jax: 0.10.2.dev20260603
libtpu: 0.0.44.dev20260713+nightly
codegen_flags: <defaults>
</compile_context>

<pallas_src>
import functools

import jax
import jax.numpy as jnp
from jax import lax
from jax.experimental import pallas as pl
from jax.experimental.pallas import tpu as pltpu
from jax.experimental.pallas import tpu_sc as plsc

_B, _D, _H, _W = 8, 256, 32, 32
_HW = _H * _W
_NW = 32
_RPW = (2 * _D) // _NW
_CHUNK = _RPW * _HW


def _sc_body(row_hbm, col_hbm, out_hbm, tab_ref, chunk_ref, sem):
    wid = lax.axis_index("c") * 16 + lax.axis_index("s")
    c0 = wid * _RPW

    pltpu.sync_copy(col_hbm.at[pl.ds(0, _W), :], tab_ref.at[pl.ds(0, 32), :])
    pltpu.sync_copy(row_hbm.at[pl.ds(0, _H), :], tab_ref.at[pl.ds(32, 32), :])

    iota16 = lax.broadcasted_iota(jnp.int32, (16,), 0)

    @pl.when(wid < 16)
    def _build_col_rows():
        def per_row(i, _):
            c = c0 + i
            idx_col = jnp.full((16,), c, jnp.int32)
            va = plsc.load_gather(tab_ref, [iota16, idx_col])
            vb = plsc.load_gather(tab_ref, [iota16 + 16, idx_col])
            base = i * _HW

            def store_j(j, _):
                for u in range(4):
                    off = (j * 4 + u) * 32
                    chunk_ref[i, pl.ds(off, 16)] = va
                    chunk_ref[i, pl.ds(off + 16, 16)] = vb
                return 0

            lax.fori_loop(0, 8, store_j, 0)
            return 0

        lax.fori_loop(0, _RPW, per_row, 0)

    @pl.when(wid >= 16)
    def _build_row_rows():
        def per_row(i, _):
            c = c0 - 2 * _D + _D + i
            idx_col = jnp.full((16,), c, jnp.int32)

            def store_j(j, _):
                for u in range(2):
                    jj = j * 2 + u
                    idx_row = jnp.full((16,), 32 + jj, jnp.int32)
                    v = plsc.load_gather(tab_ref, [idx_row, idx_col])
                    chunk_ref[i, pl.ds(jj * 32, 16)] = v
                    chunk_ref[i, pl.ds(jj * 32 + 16, 16)] = v
                return 0

            lax.fori_loop(0, 16, store_j, 0)
            return 0

        lax.fori_loop(0, _RPW, per_row, 0)

    copies = [
        pltpu.async_copy(
            chunk_ref, out_hbm.at[b, pl.ds(c0, _RPW), :], sem)
        for b in range(_B)
    ]
    for c in copies:
        c.wait()


def kernel(pixel_values, row_embeddings, column_embeddings):
    B = pixel_values.shape[0]
    H = pixel_values.shape[-2]
    W = pixel_values.shape[-1]
    D = row_embeddings.shape[-1]
    mesh = plsc.VectorSubcoreMesh(core_axis_name="c", subcore_axis_name="s")
    run = functools.partial(
        pl.kernel,
        out_type=jax.ShapeDtypeStruct((B, 2 * D, H * W), jnp.float32),
        mesh=mesh,
        scratch_types=[
            pltpu.VMEM((64, D), jnp.float32),
            pltpu.VMEM((_RPW, _HW), jnp.float32),
            pltpu.SemaphoreType.DMA,
        ],
        compiler_params=pltpu.CompilerParams(
            needs_layout_passes=False, use_tc_tiling_on_sc=True),
    )(_sc_body)
    out = run(row_embeddings, column_embeddings)
    return out.reshape(B, 2 * D, H, W)

# --- scband reference (transcript-rebuilt; emitter-appended) ---
"""Pipeline reference for scband-table-transformer-learned-position-embedding-47287589929420 (READ-ONLY COPY).

The authoritative reference and input builder live on the scoring server;
editing this copy changes nothing except your own understanding.
"""

import jax, jax.numpy as jnp
import numpy as np


def setup_inputs(seed: int = 0) -> dict:
    key = jax.random.key(seed)
    k1, k2, k3 = jax.random.split(key, 3)
    pixel_values = jax.random.normal(k1, (8, 768, 32, 32), dtype=jnp.float32)
    row_embeddings = jax.random.normal(k2, (50, 256), dtype=jnp.float32) * 0.02
    column_embeddings = jax.random.normal(k3, (50, 256), dtype=jnp.float32) * 0.02
    return {
        "pixel_values": pixel_values,
        "row_embeddings": row_embeddings,
        "column_embeddings": column_embeddings,
    }


def reference(pixel_values, row_embeddings, column_embeddings):
    B = pixel_values.shape[0]
    H = pixel_values.shape[-2]
    W = pixel_values.shape[-1]
    width_values = jnp.arange(W)
    height_values = jnp.arange(H)
    # embedding lookups (gathers)
    x_emb = jnp.take(column_embeddings, width_values, axis=0)  # [W, D]
    y_emb = jnp.take(row_embeddings, height_values, axis=0)    # [H, D]
    # x_emb.unsqueeze(0).repeat(H,1,1) ; y_emb.unsqueeze(1).repeat(1,W,1)
    x_rep = jnp.tile(x_emb[None, :, :], (H, 1, 1))  # [H, W, D]
    y_rep = jnp.tile(y_emb[:, None, :], (1, W, 1))  # [H, W, D]
    pos = jnp.concatenate([x_rep, y_rep], axis=-1)  # [H, W, 2D]
    pos = jnp.transpose(pos, (2, 0, 1))             # [2D, H, W]
    pos = pos[None]                                  # [1, 2D, H, W]
    pos = jnp.tile(pos, (B, 1, 1, 1))               # [B, 2D, H, W]
    return pos

if __name__ == "__main__":
    import jax
    _d = setup_inputs()
    print(jax.jit(kernel)(*tuple(_d.values())))

</pallas_src>

<mosaic_0001>
#map = affine_map<(d0, d1) -> (0, 0)>
#map1 = affine_map<(d0, d1) -> (0, 0, 0)>
module attributes {stable_mosaic.version = 14 : i64} {
  func.func @_sc_body(%arg0: i32, %arg1: i32, %arg2: memref<50x256xf32, #tpu.memory_space<hbm>>, %arg3: memref<50x256xf32, #tpu.memory_space<hbm>>, %arg4: memref<8x512x1024xf32, #tpu.memory_space<hbm>>, %arg5: memref<64x256xf32, #tpu.memory_space<vmem>>, %arg6: memref<16x1024xf32, #tpu.memory_space<vmem>>, %arg7: memref<!tpu.dma_semaphore, #tpu.memory_space<semaphore_mem>>) attributes {dimension_semantics = [#tpu.dimension_semantics<core_parallel>, #tpu.dimension_semantics<subcore_parallel>], iteration_bounds = array<i64: 2, 16>, scalar_prefetch = 0 : i64, scratch_operands = 3 : i64, tpu.core_type = #tpu.core_type<sc_vector_subcore>, window_params = [{transform_indices = #map}, {transform_indices = #map}, {transform_indices = #map1}]} {
    %mul3A = arith.constant 16 : i32
    %mul3A_0 = arith.muli %arg0, %mul3A : i32
    %add3A = arith.addi %mul3A_0, %arg1 : i32
    %mul3A_1 = arith.constant 16 : i32
    %mul3A_2 = arith.muli %add3A, %mul3A_1 : i32
    "tpu.region"() ({
      %run_scoped3A = tpu.sem_alloc : memref<!tpu.dma_semaphore, #tpu.memory_space<semaphore_mem>>
      %dma_start3A_119 = arith.constant 0 : i32
      %dma_start3A_120 = arith.constant 0 : i32
      %dma_start3A_121 = tpu.memref_slice %arg5[%dma_start3A_119, %dma_start3A_120] : memref<64x256xf32, #tpu.memory_space<vmem>> -> memref<32x256xf32, #tpu.memory_space<vmem>>
      %dma_start3A_122 = arith.constant 0 : i32
      %dma_start3A_123 = arith.constant 0 : i32
      %dma_start3A_124 = tpu.memref_slice %arg3[%dma_start3A_122, %dma_start3A_123] : memref<50x256xf32, #tpu.memory_space<hbm>> -> memref<32x256xf32, #tpu.memory_space<hbm>>
      %dma_start3A_125 = arith.constant 0 : i32
      %dma_start3A_126 = arith.constant 0 : i32
      %dma_start3A_127 = tpu.memref_slice %arg5[%dma_start3A_125, %dma_start3A_126] : memref<64x256xf32, #tpu.memory_space<vmem>> -> memref<32x256xf32, #tpu.memory_space<vmem>>
      %dma_start3A_128 = arith.constant 0 : i32
      %dma_start3A_129 = arith.constant 0 : i32
      %dma_start3A_130 = tpu.memref_slice %arg3[%dma_start3A_128, %dma_start3A_129] : memref<50x256xf32, #tpu.memory_space<hbm>> -> memref<32x256xf32, #tpu.memory_space<hbm>>
      tpu.enqueue_dma source(%dma_start3A_130 : memref<32x256xf32, #tpu.memory_space<hbm>>) target(%dma_start3A_127 : memref<32x256xf32, #tpu.memory_space<vmem>>) target_semaphore(%run_scoped3A : memref<!tpu.dma_semaphore, #tpu.memory_space<semaphore_mem>>)
      %dma_wait3A_131 = arith.constant 0 : i32
      %dma_wait3A_132 = arith.constant 0 : i32
      %dma_wait3A_133 = tpu.memref_slice %arg5[%dma_wait3A_131, %dma_wait3A_132] : memref<64x256xf32, #tpu.memory_space<vmem>> -> memref<32x256xf32, #tpu.memory_space<vmem>>
      %dma_wait3A_134 = arith.constant 0 : i32
      %dma_wait3A_135 = arith.constant 0 : i32
      %dma_wait3A_136 = tpu.memref_slice %arg3[%dma_wait3A_134, %dma_wait3A_135] : memref<50x256xf32, #tpu.memory_space<hbm>> -> memref<32x256xf32, #tpu.memory_space<hbm>>
      %dma_wait3A_137 = arith.constant 0 : i32
      %dma_wait3A_138 = arith.constant 0 : i32
      %dma_wait3A_139 = tpu.memref_slice %arg5[%dma_wait3A_137, %dma_wait3A_138] : memref<64x256xf32, #tpu.memory_space<vmem>> -> memref<32x256xf32, #tpu.memory_space<vmem>>
      %dma_wait3A_140 = arith.constant 0 : i32
      %dma_wait3A_141 = arith.constant 0 : i32
      %dma_wait3A_142 = tpu.memref_slice %arg3[%dma_wait3A_140, %dma_wait3A_141] : memref<50x256xf32, #tpu.memory_space<hbm>> -> memref<32x256xf32, #tpu.memory_space<hbm>>
      tpu.wait_dma2 semaphore(%run_scoped3A : memref<!tpu.dma_semaphore, #tpu.memory_space<semaphore_mem>>) src(%dma_wait3A_142 : memref<32x256xf32, #tpu.memory_space<hbm>>) dst(%dma_wait3A_139 : memref<32x256xf32, #tpu.memory_space<vmem>>)
      tpu.yield
    }) : () -> ()
    "tpu.region"() ({
      %run_scoped3A = tpu.sem_alloc : memref<!tpu.dma_semaphore, #tpu.memory_space<semaphore_mem>>
      %dma_start3A_119 = arith.constant 32 : i32
      %dma_start3A_120 = arith.constant 0 : i32
      %dma_start3A_121 = tpu.memref_slice %arg5[%dma_start3A_119, %dma_start3A_120] : memref<64x256xf32, #tpu.memory_space<vmem>> -> memref<32x256xf32, #tpu.memory_space<vmem>>
      %dma_start3A_122 = arith.constant 0 : i32
      %dma_start3A_123 = arith.constant 0 : i32
      %dma_start3A_124 = tpu.memref_slice %arg2[%dma_start3A_122, %dma_start3A_123] : memref<50x256xf32, #tpu.memory_space<hbm>> -> memref<32x256xf32, #tpu.memory_space<hbm>>
      %dma_start3A_125 = arith.constant 32 : i32
      %dma_start3A_126 = arith.constant 0 : i32
      %dma_start3A_127 = tpu.memref_slice %arg5[%dma_start3A_125, %dma_start3A_126] : memref<64x256xf32, #tpu.memory_space<vmem>> -> memref<32x256xf32, #tpu.memory_space<vmem>>
      %dma_start3A_128 = arith.constant 0 : i32
      %dma_start3A_129 = arith.constant 0 : i32
      %dma_start3A_130 = tpu.memref_slice %arg2[%dma_start3A_128, %dma_start3A_129] : memref<50x256xf32, #tpu.memory_space<hbm>> -> memref<32x256xf32, #tpu.memory_space<hbm>>
      tpu.enqueue_dma source(%dma_start3A_130 : memref<32x256xf32, #tpu.memory_space<hbm>>) target(%dma_start3A_127 : memref<32x256xf32, #tpu.memory_space<vmem>>) target_semaphore(%run_scoped3A : memref<!tpu.dma_semaphore, #tpu.memory_space<semaphore_mem>>)
      %dma_wait3A_131 = arith.constant 32 : i32
      %dma_wait3A_132 = arith.constant 0 : i32
      %dma_wait3A_133 = tpu.memref_slice %arg5[%dma_wait3A_131, %dma_wait3A_132] : memref<64x256xf32, #tpu.memory_space<vmem>> -> memref<32x256xf32, #tpu.memory_space<vmem>>
      %dma_wait3A_134 = arith.constant 0 : i32
      %dma_wait3A_135 = arith.constant 0 : i32
      %dma_wait3A_136 = tpu.memref_slice %arg2[%dma_wait3A_134, %dma_wait3A_135] : memref<50x256xf32, #tpu.memory_space<hbm>> -> memref<32x256xf32, #tpu.memory_space<hbm>>
      %dma_wait3A_137 = arith.constant 32 : i32
      %dma_wait3A_138 = arith.constant 0 : i32
      %dma_wait3A_139 = tpu.memref_slice %arg5[%dma_wait3A_137, %dma_wait3A_138] : memref<64x256xf32, #tpu.memory_space<vmem>> -> memref<32x256xf32, #tpu.memory_space<vmem>>
      %dma_wait3A_140 = arith.constant 0 : i32
      %dma_wait3A_141 = arith.constant 0 : i32
      %dma_wait3A_142 = tpu.memref_slice %arg2[%dma_wait3A_140, %dma_wait3A_141] : memref<50x256xf32, #tpu.memory_space<hbm>> -> memref<32x256xf32, #tpu.memory_space<hbm>>
      tpu.wait_dma2 semaphore(%run_scoped3A : memref<!tpu.dma_semaphore, #tpu.memory_space<semaphore_mem>>) src(%dma_wait3A_142 : memref<32x256xf32, #tpu.memory_space<hbm>>) dst(%dma_wait3A_139 : memref<32x256xf32, #tpu.memory_space<vmem>>)
      tpu.yield
    }) : () -> ()
    %iota3A = tpu.iota {dimensions = array<i32: 0>} : vector<16xi32>
    %lt3A = arith.constant 16 : i32
    %lt3A_3 = arith.cmpi slt, %add3A, %lt3A : i32
    %convert_element_type3A = arith.extui %lt3A_3 : i1 to i32
    %cond3A = arith.constant 0 : i32
    %cond3A_4 = arith.cmpi ne, %convert_element_type3A, %cond3A : i32
    scf.if %cond3A_4 {
      %scan3A = arith.constant 0 : i32
      %scan3A_119 = arith.constant 0 : i32
      %scan3A_120 = arith.constant 16 : i32
      %scan3A_121 = arith.addi %scan3A_119, %scan3A_120 : i32
      %scan3A_122 = arith.constant 1 : i32
      %scan3A_123 = scf.for %scan3A_125 = %scan3A_119 to %scan3A_121 step %scan3A_122 iter_args(%scan3A_126 = %scan3A) -> (i32)  : i32 {
        %add3A_127 = arith.addi %mul3A_2, %scan3A_125 : i32
        %broadcast_in_dim3A = vector.broadcast %add3A_127 : i32 to vector<16xi32>
        %gather3A = tpu.vector_load_idx %arg5[%iota3A, %broadcast_in_dim3A] : memref<64x256xf32, #tpu.memory_space<vmem>>[vector<16xi32>, vector<16xi32>], vector<16xf32>,
        %add3A_128 = arith.constant 16 : i32
        %add3A_129 = vector.broadcast %add3A_128 : i32 to vector<16xi32>
        %add3A_130 = arith.addi %iota3A, %add3A_129 : vector<16xi32>
        %gather3A_131 = tpu.vector_load_idx %arg5[%add3A_130, %broadcast_in_dim3A] : memref<64x256xf32, #tpu.memory_space<vmem>>[vector<16xi32>, vector<16xi32>], vector<16xf32>,
        %mul3A_132 = arith.constant 1024 : i32
        %mul3A_133 = arith.muli %scan3A_125, %mul3A_132 : i32
        %scan3A_134 = arith.constant 0 : i32
        %scan3A_135 = arith.constant 0 : i32
        %scan3A_136 = arith.constant 8 : i32
        %scan3A_137 = arith.addi %scan3A_135, %scan3A_136 : i32
        %scan3A_138 = arith.constant 1 : i32
        %scan3A_139 = scf.for %scan3A_142 = %scan3A_135 to %scan3A_137 step %scan3A_138 iter_args(%scan3A_143 = %scan3A_134) -> (i32)  : i32 {
          %mul3A_144 = arith.constant 4 : i32
          %mul3A_145 = arith.muli %scan3A_142, %mul3A_144 : i32
          %add3A_146 = arith.constant 0 : i32
          %add3A_147 = arith.addi %mul3A_145, %add3A_146 : i32
          %mul3A_148 = arith.constant 32 : i32
          %mul3A_149 = arith.muli %add3A_147, %mul3A_148 : i32
          %swap3A = arith.index_cast %scan3A_125 : i32 to index
          %swap3A_150 = arith.index_cast %mul3A_149 : i32 to index
          %swap3A_151 = tpu.vector_load %arg6[%swap3A, %swap3A_150] {strides = array<i32>} : memref<16x1024xf32, #tpu.memory_space<vmem>>, vector<16xf32>,
          tpu.vector_store %arg6[%swap3A, %swap3A_150], %gather3A {strides = array<i32>} : memref<16x1024xf32, #tpu.memory_space<vmem>>, vector<16xf32>,
          %add3A_152 = arith.constant 16 : i32
          %add3A_153 = arith.addi %mul3A_149, %add3A_152 : i32
          %swap3A_154 = arith.index_cast %scan3A_125 : i32 to index
          %swap3A_155 = arith.index_cast %add3A_153 : i32 to index
          %swap3A_156 = tpu.vector_load %arg6[%swap3A_154, %swap3A_155] {strides = array<i32>} : memref<16x1024xf32, #tpu.memory_space<vmem>>, vector<16xf32>,
          tpu.vector_store %arg6[%swap3A_154, %swap3A_155], %gather3A_131 {strides = array<i32>} : memref<16x1024xf32, #tpu.memory_space<vmem>>, vector<16xf32>,
          %mul3A_157 = arith.constant 4 : i32
          %mul3A_158 = arith.muli %scan3A_142, %mul3A_157 : i32
          %add3A_159 = arith.constant 1 : i32
          %add3A_160 = arith.addi %mul3A_158, %add3A_159 : i32
          %mul3A_161 = arith.constant 32 : i32
          %mul3A_162 = arith.muli %add3A_160, %mul3A_161 : i32
          %swap3A_163 = arith.index_cast %scan3A_125 : i32 to index
          %swap3A_164 = arith.index_cast %mul3A_162 : i32 to index
          %swap3A_165 = tpu.vector_load %arg6[%swap3A_163, %swap3A_164] {strides = array<i32>} : memref<16x1024xf32, #tpu.memory_space<vmem>>, vector<16xf32>,
          tpu.vector_store %arg6[%swap3A_163, %swap3A_164], %gather3A {strides = array<i32>} : memref<16x1024xf32, #tpu.memory_space<vmem>>, vector<16xf32>,
          %add3A_166 = arith.constant 16 : i32
          %add3A_167 = arith.addi %mul3A_162, %add3A_166 : i32
          %swap3A_168 = arith.index_cast %scan3A_125 : i32 to index
          %swap3A_169 = arith.index_cast %add3A_167 : i32 to index
          %swap3A_170 = tpu.vector_load %arg6[%swap3A_168, %swap3A_169] {strides = array<i32>} : memref<16x1024xf32, #tpu.memory_space<vmem>>, vector<16xf32>,
          tpu.vector_store %arg6[%swap3A_168, %swap3A_169], %gather3A_131 {strides = array<i32>} : memref<16x1024xf32, #tpu.memory_space<vmem>>, vector<16xf32>,
          %mul3A_171 = arith.constant 4 : i32
          %mul3A_172 = arith.muli %scan3A_142, %mul3A_171 : i32
          %add3A_173 = arith.constant 2 : i32
          %add3A_174 = arith.addi %mul3A_172, %add3A_173 : i32
          %mul3A_175 = arith.constant 32 : i32
          %mul3A_176 = arith.muli %add3A_174, %mul3A_175 : i32
          %swap3A_177 = arith.index_cast %scan3A_125 : i32 to index
          %swap3A_178 = arith.index_cast %mul3A_176 : i32 to index
          %swap3A_179 = tpu.vector_load %arg6[%swap3A_177, %swap3A_178] {strides = array<i32>} : memref<16x1024xf32, #tpu.memory_space<vmem>>, vector<16xf32>,
          tpu.vector_store %arg6[%swap3A_177, %swap3A_178], %gather3A {strides = array<i32>} : memref<16x1024xf32, #tpu.memory_space<vmem>>, vector<16xf32>,
          %add3A_180 = arith.constant 16 : i32
          %add3A_181 = arith.addi %mul3A_176, %add3A_180 : i32
          %swap3A_182 = arith.index_cast %scan3A_125 : i32 to index
          %swap3A_183 = arith.index_cast %add3A_181 : i32 to index
          %swap3A_184 = tpu.vector_load %arg6[%swap3A_182, %swap3A_183] {strides = array<i32>} : memref<16x1024xf32, #tpu.memory_space<vmem>>, vector<16xf32>,
          tpu.vector_store %arg6[%swap3A_182, %swap3A_183], %gather3A_131 {strides = array<i32>} : memref<16x1024xf32, #tpu.memory_space<vmem>>, vector<16xf32>,
          %mul3A_185 = arith.constant 4 : i32
          %mul3A_186 = arith.muli %scan3A_142, %mul3A_185 : i32
          %add3A_187 = arith.constant 3 : i32
          %add3A_188 = arith.addi %mul3A_186, %add3A_187 : i32
          %mul3A_189 = arith.constant 32 : i32
          %mul3A_190 = arith.muli %add3A_188, %mul3A_189 : i32
          %swap3A_191 = arith.index_cast %scan3A_125 : i32 to index
          %swap3A_192 = arith.index_cast %mul3A_190 : i32 to index
          %swap3A_193 = tpu.vector_load %arg6[%swap3A_191, %swap3A_192] {strides = array<i32>} : memref<16x1024xf32, #tpu.memory_space<vmem>>, vector<16xf32>,
          tpu.vector_store %arg6[%swap3A_191, %swap3A_192], %gather3A {strides = array<i32>} : memref<16x1024xf32, #tpu.memory_space<vmem>>, vector<16xf32>,
          %add3A_194 = arith.constant 16 : i32
          %add3A_195 = arith.addi %mul3A_190, %add3A_194 : i32
          %swap3A_196 = arith.index_cast %scan3A_125 : i32 to index
          %swap3A_197 = arith.index_cast %add3A_195 : i32 to index
          %swap3A_198 = tpu.vector_load %arg6[%swap3A_196, %swap3A_197] {strides = array<i32>} : memref<16x1024xf32, #tpu.memory_space<vmem>>, vector<16xf32>,
          tpu.vector_store %arg6[%swap3A_196, %swap3A_197], %gather3A_131 {strides = array<i32>} : memref<16x1024xf32, #tpu.memory_space<vmem>>, vector<16xf32>,
          %scan3A_199 = arith.constant 0 : i32
          scf.yield %scan3A_199 : i32
        }
        %scan3A_140 = arith.constant 8 : i32
        %scan3A_141 = arith.constant 0 : i32
        scf.yield %scan3A_141 : i32
      }
      %scan3A_124 = arith.constant 16 : i32
    } else {
    }
    %ge3A = arith.constant 16 : i32
    %ge3A_5 = arith.cmpi sge, %add3A, %ge3A : i32
    %convert_element_type3A_6 = arith.extui %ge3A_5 : i1 to i32
    %cond3A_7 = arith.constant 0 : i32
    %cond3A_8 = arith.cmpi ne, %convert_element_type3A_6, %cond3A_7 : i32
    scf.if %cond3A_8 {
      %scan3A = arith.constant 0 : i32
      %scan3A_119 = arith.constant 0 : i32
      %scan3A_120 = arith.constant 16 : i32
      %scan3A_121 = arith.addi %scan3A_119, %scan3A_120 : i32
      %scan3A_122 = arith.constant 1 : i32
      %scan3A_123 = scf.for %scan3A_125 = %scan3A_119 to %scan3A_121 step %scan3A_122 iter_args(%scan3A_126 = %scan3A) -> (i32)  : i32 {
        %sub3A = arith.constant 512 : i32
        %sub3A_127 = arith.subi %mul3A_2, %sub3A : i32
        %add3A_128 = arith.constant 256 : i32
        %add3A_129 = arith.addi %sub3A_127, %add3A_128 : i32
        %add3A_130 = arith.addi %add3A_129, %scan3A_125 : i32
        %broadcast_in_dim3A = vector.broadcast %add3A_130 : i32 to vector<16xi32>
        %scan3A_131 = arith.constant 0 : i32
        %scan3A_132 = arith.constant 0 : i32
        %scan3A_133 = arith.constant 16 : i32
        %scan3A_134 = arith.addi %scan3A_132, %scan3A_133 : i32
        %scan3A_135 = arith.constant 1 : i32
        %scan3A_136 = scf.for %scan3A_139 = %scan3A_132 to %scan3A_134 step %scan3A_135 iter_args(%scan3A_140 = %scan3A_131) -> (i32)  : i32 {
          %mul3A_141 = arith.constant 2 : i32
          %mul3A_142 = arith.muli %scan3A_139, %mul3A_141 : i32
          %add3A_143 = arith.constant 0 : i32
          %add3A_144 = arith.addi %mul3A_142, %add3A_143 : i32
          %add3A_145 = arith.constant 32 : i32
          %add3A_146 = arith.addi %add3A_145, %add3A_144 : i32
          %broadcast_in_dim3A_147 = vector.broadcast %add3A_146 : i32 to vector<16xi32>
          %gather3A = tpu.vector_load_idx %arg5[%broadcast_in_dim3A_147, %broadcast_in_dim3A] : memref<64x256xf32, #tpu.memory_space<vmem>>[vector<16xi32>, vector<16xi32>], vector<16xf32>,
          %mul3A_148 = arith.constant 32 : i32
          %mul3A_149 = arith.muli %add3A_144, %mul3A_148 : i32
          %swap3A = arith.index_cast %scan3A_125 : i32 to index
          %swap3A_150 = arith.index_cast %mul3A_149 : i32 to index
          %swap3A_151 = tpu.vector_load %arg6[%swap3A, %swap3A_150] {strides = array<i32>} : memref<16x1024xf32, #tpu.memory_space<vmem>>, vector<16xf32>,
          tpu.vector_store %arg6[%swap3A, %swap3A_150], %gather3A {strides = array<i32>} : memref<16x1024xf32, #tpu.memory_space<vmem>>, vector<16xf32>,
          %mul3A_152 = arith.constant 32 : i32
          %mul3A_153 = arith.muli %add3A_144, %mul3A_152 : i32
          %add3A_154 = arith.constant 16 : i32
          %add3A_155 = arith.addi %mul3A_153, %add3A_154 : i32
          %swap3A_156 = arith.index_cast %scan3A_125 : i32 to index
          %swap3A_157 = arith.index_cast %add3A_155 : i32 to index
          %swap3A_158 = tpu.vector_load %arg6[%swap3A_156, %swap3A_157] {strides = array<i32>} : memref<16x1024xf32, #tpu.memory_space<vmem>>, vector<16xf32>,
          tpu.vector_store %arg6[%swap3A_156, %swap3A_157], %gather3A {strides = array<i32>} : memref<16x1024xf32, #tpu.memory_space<vmem>>, vector<16xf32>,
          %mul3A_159 = arith.constant 2 : i32
          %mul3A_160 = arith.muli %scan3A_139, %mul3A_159 : i32
          %add3A_161 = arith.constant 1 : i32
          %add3A_162 = arith.addi %mul3A_160, %add3A_161 : i32
          %add3A_163 = arith.constant 32 : i32
          %add3A_164 = arith.addi %add3A_163, %add3A_162 : i32
          %broadcast_in_dim3A_165 = vector.broadcast %add3A_164 : i32 to vector<16xi32>
          %gather3A_166 = tpu.vector_load_idx %arg5[%broadcast_in_dim3A_165, %broadcast_in_dim3A] : memref<64x256xf32, #tpu.memory_space<vmem>>[vector<16xi32>, vector<16xi32>], vector<16xf32>,
          %mul3A_167 = arith.constant 32 : i32
          %mul3A_168 = arith.muli %add3A_162, %mul3A_167 : i32
          %swap3A_169 = arith.index_cast %scan3A_125 : i32 to index
          %swap3A_170 = arith.index_cast %mul3A_168 : i32 to index
          %swap3A_171 = tpu.vector_load %arg6[%swap3A_169, %swap3A_170] {strides = array<i32>} : memref<16x1024xf32, #tpu.memory_space<vmem>>, vector<16xf32>,
          tpu.vector_store %arg6[%swap3A_169, %swap3A_170], %gather3A_166 {strides = array<i32>} : memref<16x1024xf32, #tpu.memory_space<vmem>>, vector<16xf32>,
          %mul3A_172 = arith.constant 32 : i32
          %mul3A_173 = arith.muli %add3A_162, %mul3A_172 : i32
          %add3A_174 = arith.constant 16 : i32
          %add3A_175 = arith.addi %mul3A_173, %add3A_174 : i32
          %swap3A_176 = arith.index_cast %scan3A_125 : i32 to index
          %swap3A_177 = arith.index_cast %add3A_175 : i32 to index
          %swap3A_178 = tpu.vector_load %arg6[%swap3A_176, %swap3A_177] {strides = array<i32>} : memref<16x1024xf32, #tpu.memory_space<vmem>>, vector<16xf32>,
          tpu.vector_store %arg6[%swap3A_176, %swap3A_177], %gather3A_166 {strides = array<i32>} : memref<16x1024xf32, #tpu.memory_space<vmem>>, vector<16xf32>,
          %scan3A_179 = arith.constant 0 : i32
          scf.yield %scan3A_179 : i32
        }
        %scan3A_137 = arith.constant 16 : i32
        %scan3A_138 = arith.constant 0 : i32
        scf.yield %scan3A_138 : i32
      }
      %scan3A_124 = arith.constant 16 : i32
    } else {
    }
    %dma_start3A = arith.constant 0 : i32
    %dma_start3A_9 = arith.constant 0 : i32
    %dma_start3A_10 = tpu.memref_slice %arg4[%dma_start3A, %mul3A_2, %dma_start3A_9] : memref<8x512x1024xf32, #tpu.memory_space<hbm>> -> memref<1x16x1024xf32, #tpu.memory_space<hbm>>
    %dma_start3A_11 = tpu.memref_squeeze %dma_start3A_10 : memref<1x16x1024xf32, #tpu.memory_space<hbm>> -> memref<16x1024xf32, #tpu.memory_space<hbm>>
    %dma_start3A_12 = arith.constant 0 : i32
    %dma_start3A_13 = tpu.memref_slice %arg4[%dma_start3A, %mul3A_2, %dma_start3A_12] : memref<8x512x1024xf32, #tpu.memory_space<hbm>> -> memref<1x16x1024xf32, #tpu.memory_space<hbm>>
    %dma_start3A_14 = tpu.memref_squeeze %dma_start3A_13 : memref<1x16x1024xf32, #tpu.memory_space<hbm>> -> memref<16x1024xf32, #tpu.memory_space<hbm>>
    tpu.enqueue_dma source(%arg6 : memref<16x1024xf32, #tpu.memory_space<vmem>>) target(%dma_start3A_14 : memref<16x1024xf32, #tpu.memory_space<hbm>>) target_semaphore(%arg7 : memref<!tpu.dma_semaphore, #tpu.memory_space<semaphore_mem>>)
    %dma_start3A_15 = arith.constant 1 : i32
    %dma_start3A_16 = arith.constant 0 : i32
    %dma_start3A_17 = tpu.memref_slice %arg4[%dma_start3A_15, %mul3A_2, %dma_start3A_16] : memref<8x512x1024xf32, #tpu.memory_space<hbm>> -> memref<1x16x1024xf32, #tpu.memory_space<hbm>>
    %dma_start3A_18 = tpu.memref_squeeze %dma_start3A_17 : memref<1x16x1024xf32, #tpu.memory_space<hbm>> -> memref<16x1024xf32, #tpu.memory_space<hbm>>
    %dma_start3A_19 = arith.constant 0 : i32
    %dma_start3A_20 = tpu.memref_slice %arg4[%dma_start3A_15, %mul3A_2, %dma_start3A_19] : memref<8x512x1024xf32, #tpu.memory_space<hbm>> -> memref<1x16x1024xf32, #tpu.memory_space<hbm>>
    %dma_start3A_21 = tpu.memref_squeeze %dma_start3A_20 : memref<1x16x1024xf32, #tpu.memory_space<hbm>> -> memref<16x1024xf32, #tpu.memory_space<hbm>>
    tpu.enqueue_dma source(%arg6 : memref<16x1024xf32, #tpu.memory_space<vmem>>) target(%dma_start3A_21 : memref<16x1024xf32, #tpu.memory_space<hbm>>) target_semaphore(%arg7 : memref<!tpu.dma_semaphore, #tpu.memory_space<semaphore_mem>>)
    %dma_start3A_22 = arith.constant 2 : i32
    %dma_start3A_23 = arith.constant 0 : i32
    %dma_start3A_24 = tpu.memref_slice %arg4[%dma_start3A_22, %mul3A_2, %dma_start3A_23] : memref<8x512x1024xf32, #tpu.memory_space<hbm>> -> memref<1x16x1024xf32, #tpu.memory_space<hbm>>
    %dma_start3A_25 = tpu.memref_squeeze %dma_start3A_24 : memref<1x16x1024xf32, #tpu.memory_space<hbm>> -> memref<16x1024xf32, #tpu.memory_space<hbm>>
    %dma_start3A_26 = arith.constant 0 : i32
    %dma_start3A_27 = tpu.memref_slice %arg4[%dma_start3A_22, %mul3A_2, %dma_start3A_26] : memref<8x512x1024xf32, #tpu.memory_space<hbm>> -> memref<1x16x1024xf32, #tpu.memory_space<hbm>>
    %dma_start3A_28 = tpu.memref_squeeze %dma_start3A_27 : memref<1x16x1024xf32, #tpu.memory_space<hbm>> -> memref<16x1024xf32, #tpu.memory_space<hbm>>
    tpu.enqueue_dma source(%arg6 : memref<16x1024xf32, #tpu.memory_space<vmem>>) target(%dma_start3A_28 : memref<16x1024xf32, #tpu.memory_space<hbm>>) target_semaphore(%arg7 : memref<!tpu.dma_semaphore, #tpu.memory_space<semaphore_mem>>)
    %dma_start3A_29 = arith.constant 3 : i32
    %dma_start3A_30 = arith.constant 0 : i32
    %dma_start3A_31 = tpu.memref_slice %arg4[%dma_start3A_29, %mul3A_2, %dma_start3A_30] : memref<8x512x1024xf32, #tpu.memory_space<hbm>> -> memref<1x16x1024xf32, #tpu.memory_space<hbm>>
    %dma_start3A_32 = tpu.memref_squeeze %dma_start3A_31 : memref<1x16x1024xf32, #tpu.memory_space<hbm>> -> memref<16x1024xf32, #tpu.memory_space<hbm>>
    %dma_start3A_33 = arith.constant 0 : i32
    %dma_start3A_34 = tpu.memref_slice %arg4[%dma_start3A_29, %mul3A_2, %dma_start3A_33] : memref<8x512x1024xf32, #tpu.memory_space<hbm>> -> memref<1x16x1024xf32, #tpu.memory_space<hbm>>
    %dma_start3A_35 = tpu.memref_squeeze %dma_start3A_34 : memref<1x16x1024xf32, #tpu.memory_space<hbm>> -> memref<16x1024xf32, #tpu.memory_space<hbm>>
    tpu.enqueue_dma source(%arg6 : memref<16x1024xf32, #tpu.memory_space<vmem>>) target(%dma_start3A_35 : memref<16x1024xf32, #tpu.memory_space<hbm>>) target_semaphore(%arg7 : memref<!tpu.dma_semaphore, #tpu.memory_space<semaphore_mem>>)
    %dma_start3A_36 = arith.constant 4 : i32
    %dma_start3A_37 = arith.constant 0 : i32
    %dma_start3A_38 = tpu.memref_slice %arg4[%dma_start3A_36, %mul3A_2, %dma_start3A_37] : memref<8x512x1024xf32, #tpu.memory_space<hbm>> -> memref<1x16x1024xf32, #tpu.memory_space<hbm>>
    %dma_start3A_39 = tpu.memref_squeeze %dma_start3A_38 : memref<1x16x1024xf32, #tpu.memory_space<hbm>> -> memref<16x1024xf32, #tpu.memory_space<hbm>>
    %dma_start3A_40 = arith.constant 0 : i32
    %dma_start3A_41 = tpu.memref_slice %arg4[%dma_start3A_36, %mul3A_2, %dma_start3A_40] : memref<8x512x1024xf32, #tpu.memory_space<hbm>> -> memref<1x16x1024xf32, #tpu.memory_space<hbm>>
    %dma_start3A_42 = tpu.memref_squeeze %dma_start3A_41 : memref<1x16x1024xf32, #tpu.memory_space<hbm>> -> memref<16x1024xf32, #tpu.memory_space<hbm>>
    tpu.enqueue_dma source(%arg6 : memref<16x1024xf32, #tpu.memory_space<vmem>>) target(%dma_start3A_42 : memref<16x1024xf32, #tpu.memory_space<hbm>>) target_semaphore(%arg7 : memref<!tpu.dma_semaphore, #tpu.memory_space<semaphore_mem>>)
    %dma_start3A_43 = arith.constant 5 : i32
    %dma_start3A_44 = arith.constant 0 : i32
    %dma_start3A_45 = tpu.memref_slice %arg4[%dma_start3A_43, %mul3A_2, %dma_start3A_44] : memref<8x512x1024xf32, #tpu.memory_space<hbm>> -> memref<1x16x1024xf32, #tpu.memory_space<hbm>>
    %dma_start3A_46 = tpu.memref_squeeze %dma_start3A_45 : memref<1x16x1024xf32, #tpu.memory_space<hbm>> -> memref<16x1024xf32, #tpu.memory_space<hbm>>
    %dma_start3A_47 = arith.constant 0 : i32
    %dma_start3A_48 = tpu.memref_slice %arg4[%dma_start3A_43, %mul3A_2, %dma_start3A_47] : memref<8x512x1024xf32, #tpu.memory_space<hbm>> -> memref<1x16x1024xf32, #tpu.memory_space<hbm>>
    %dma_start3A_49 = tpu.memref_squeeze %dma_start3A_48 : memref<1x16x1024xf32, #tpu.memory_space<hbm>> -> memref<16x1024xf32, #tpu.memory_space<hbm>>
    tpu.enqueue_dma source(%arg6 : memref<16x1024xf32, #tpu.memory_space<vmem>>) target(%dma_start3A_49 : memref<16x1024xf32, #tpu.memory_space<hbm>>) target_semaphore(%arg7 : memref<!tpu.dma_semaphore, #tpu.memory_space<semaphore_mem>>)
    %dma_start3A_50 = arith.constant 6 : i32
    %dma_start3A_51 = arith.constant 0 : i32
    %dma_start3A_52 = tpu.memref_slice %arg4[%dma_start3A_50, %mul3A_2, %dma_start3A_51] : memref<8x512x1024xf32, #tpu.memory_space<hbm>> -> memref<1x16x1024xf32, #tpu.memory_space<hbm>>
    %dma_start3A_53 = tpu.memref_squeeze %dma_start3A_52 : memref<1x16x1024xf32, #tpu.memory_space<hbm>> -> memref<16x1024xf32, #tpu.memory_space<hbm>>
    %dma_start3A_54 = arith.constant 0 : i32
    %dma_start3A_55 = tpu.memref_slice %arg4[%dma_start3A_50, %mul3A_2, %dma_start3A_54] : memref<8x512x1024xf32, #tpu.memory_space<hbm>> -> memref<1x16x1024xf32, #tpu.memory_space<hbm>>
    %dma_start3A_56 = tpu.memref_squeeze %dma_start3A_55 : memref<1x16x1024xf32, #tpu.memory_space<hbm>> -> memref<16x1024xf32, #tpu.memory_space<hbm>>
    tpu.enqueue_dma source(%arg6 : memref<16x1024xf32, #tpu.memory_space<vmem>>) target(%dma_start3A_56 : memref<16x1024xf32, #tpu.memory_space<hbm>>) target_semaphore(%arg7 : memref<!tpu.dma_semaphore, #tpu.memory_space<semaphore_mem>>)
    %dma_start3A_57 = arith.constant 7 : i32
    %dma_start3A_58 = arith.constant 0 : i32
    %dma_start3A_59 = tpu.memref_slice %arg4[%dma_start3A_57, %mul3A_2, %dma_start3A_58] : memref<8x512x1024xf32, #tpu.memory_space<hbm>> -> memref<1x16x1024xf32, #tpu.memory_space<hbm>>
    %dma_start3A_60 = tpu.memref_squeeze %dma_start3A_59 : memref<1x16x1024xf32, #tpu.memory_space<hbm>> -> memref<16x1024xf32, #tpu.memory_space<hbm>>
    %dma_start3A_61 = arith.constant 0 : i32
    %dma_start3A_62 = tpu.memref_slice %arg4[%dma_start3A_57, %mul3A_2, %dma_start3A_61] : memref<8x512x1024xf32, #tpu.memory_space<hbm>> -> memref<1x16x1024xf32, #tpu.memory_space<hbm>>
    %dma_start3A_63 = tpu.memref_squeeze %dma_start3A_62 : memref<1x16x1024xf32, #tpu.memory_space<hbm>> -> memref<16x1024xf32, #tpu.memory_space<hbm>>
    tpu.enqueue_dma source(%arg6 : memref<16x1024xf32, #tpu.memory_space<vmem>>) target(%dma_start3A_63 : memref<16x1024xf32, #tpu.memory_space<hbm>>) target_semaphore(%arg7 : memref<!tpu.dma_semaphore, #tpu.memory_space<semaphore_mem>>)
    %dma_wait3A = arith.constant 0 : i32
    %dma_wait3A_64 = arith.constant 0 : i32
    %dma_wait3A_65 = tpu.memref_slice %arg4[%dma_wait3A, %mul3A_2, %dma_wait3A_64] : memref<8x512x1024xf32, #tpu.memory_space<hbm>> -> memref<1x16x1024xf32, #tpu.memory_space<hbm>>
    %dma_wait3A_66 = tpu.memref_squeeze %dma_wait3A_65 : memref<1x16x1024xf32, #tpu.memory_space<hbm>> -> memref<16x1024xf32, #tpu.memory_space<hbm>>
    %dma_wait3A_67 = arith.constant 0 : i32
    %dma_wait3A_68 = tpu.memref_slice %arg4[%dma_wait3A, %mul3A_2, %dma_wait3A_67] : memref<8x512x1024xf32, #tpu.memory_space<hbm>> -> memref<1x16x1024xf32, #tpu.memory_space<hbm>>
    %dma_wait3A_69 = tpu.memref_squeeze %dma_wait3A_68 : memref<1x16x1024xf32, #tpu.memory_space<hbm>> -> memref<16x1024xf32, #tpu.memory_space<hbm>>
    tpu.wait_dma2 semaphore(%arg7 : memref<!tpu.dma_semaphore, #tpu.memory_space<semaphore_mem>>) src(%arg6 : memref<16x1024xf32, #tpu.memory_space<vmem>>) dst(%dma_wait3A_69 : memref<16x1024xf32, #tpu.memory_space<hbm>>)
    %dma_wait3A_70 = arith.constant 1 : i32
    %dma_wait3A_71 = arith.constant 0 : i32
    %dma_wait3A_72 = tpu.memref_slice %arg4[%dma_wait3A_70, %mul3A_2, %dma_wait3A_71] : memref<8x512x1024xf32, #tpu.memory_space<hbm>> -> memref<1x16x1024xf32, #tpu.memory_space<hbm>>
    %dma_wait3A_73 = tpu.memref_squeeze %dma_wait3A_72 : memref<1x16x1024xf32, #tpu.memory_space<hbm>> -> memref<16x1024xf32, #tpu.memory_space<hbm>>
    %dma_wait3A_74 = arith.constant 0 : i32
    %dma_wait3A_75 = tpu.memref_slice %arg4[%dma_wait3A_70, %mul3A_2, %dma_wait3A_74] : memref<8x512x1024xf32, #tpu.memory_space<hbm>> -> memref<1x16x1024xf32, #tpu.memory_space<hbm>>
    %dma_wait3A_76 = tpu.memref_squeeze %dma_wait3A_75 : memref<1x16x1024xf32, #tpu.memory_space<hbm>> -> memref<16x1024xf32, #tpu.memory_space<hbm>>
    tpu.wait_dma2 semaphore(%arg7 : memref<!tpu.dma_semaphore, #tpu.memory_space<semaphore_mem>>) src(%arg6 : memref<16x1024xf32, #tpu.memory_space<vmem>>) dst(%dma_wait3A_76 : memref<16x1024xf32, #tpu.memory_space<hbm>>)
    %dma_wait3A_77 = arith.constant 2 : i32
    %dma_wait3A_78 = arith.constant 0 : i32
    %dma_wait3A_79 = tpu.memref_slice %arg4[%dma_wait3A_77, %mul3A_2, %dma_wait3A_78] : memref<8x512x1024xf32, #tpu.memory_space<hbm>> -> memref<1x16x1024xf32, #tpu.memory_space<hbm>>
    %dma_wait3A_80 = tpu.memref_squeeze %dma_wait3A_79 : memref<1x16x1024xf32, #tpu.memory_space<hbm>> -> memref<16x1024xf32, #tpu.memory_space<hbm>>
    %dma_wait3A_81 = arith.constant 0 : i32
    %dma_wait3A_82 = tpu.memref_slice %arg4[%dma_wait3A_77, %mul3A_2, %dma_wait3A_81] : memref<8x512x1024xf32, #tpu.memory_space<hbm>> -> memref<1x16x1024xf32, #tpu.memory_space<hbm>>
    %dma_wait3A_83 = tpu.memref_squeeze %dma_wait3A_82 : memref<1x16x1024xf32, #tpu.memory_space<hbm>> -> memref<16x1024xf32, #tpu.memory_space<hbm>>
    tpu.wait_dma2 semaphore(%arg7 : memref<!tpu.dma_semaphore, #tpu.memory_space<semaphore_mem>>) src(%arg6 : memref<16x1024xf32, #tpu.memory_space<vmem>>) dst(%dma_wait3A_83 : memref<16x1024xf32, #tpu.memory_space<hbm>>)
    %dma_wait3A_84 = arith.constant 3 : i32
    %dma_wait3A_85 = arith.constant 0 : i32
    %dma_wait3A_86 = tpu.memref_slice %arg4[%dma_wait3A_84, %mul3A_2, %dma_wait3A_85] : memref<8x512x1024xf32, #tpu.memory_space<hbm>> -> memref<1x16x1024xf32, #tpu.memory_space<hbm>>
    %dma_wait3A_87 = tpu.memref_squeeze %dma_wait3A_86 : memref<1x16x1024xf32, #tpu.memory_space<hbm>> -> memref<16x1024xf32, #tpu.memory_space<hbm>>
    %dma_wait3A_88 = arith.constant 0 : i32
    %dma_wait3A_89 = tpu.memref_slice %arg4[%dma_wait3A_84, %mul3A_2, %dma_wait3A_88] : memref<8x512x1024xf32, #tpu.memory_space<hbm>> -> memref<1x16x1024xf32, #tpu.memory_space<hbm>>
    %dma_wait3A_90 = tpu.memref_squeeze %dma_wait3A_89 : memref<1x16x1024xf32, #tpu.memory_space<hbm>> -> memref<16x1024xf32, #tpu.memory_space<hbm>>
    tpu.wait_dma2 semaphore(%arg7 : memref<!tpu.dma_semaphore, #tpu.memory_space<semaphore_mem>>) src(%arg6 : memref<16x1024xf32, #tpu.memory_space<vmem>>) dst(%dma_wait3A_90 : memref<16x1024xf32, #tpu.memory_space<hbm>>)
    %dma_wait3A_91 = arith.constant 4 : i32
    %dma_wait3A_92 = arith.constant 0 : i32
    %dma_wait3A_93 = tpu.memref_slice %arg4[%dma_wait3A_91, %mul3A_2, %dma_wait3A_92] : memref<8x512x1024xf32, #tpu.memory_space<hbm>> -> memref<1x16x1024xf32, #tpu.memory_space<hbm>>
    %dma_wait3A_94 = tpu.memref_squeeze %dma_wait3A_93 : memref<1x16x1024xf32, #tpu.memory_space<hbm>> -> memref<16x1024xf32, #tpu.memory_space<hbm>>
    %dma_wait3A_95 = arith.constant 0 : i32
    %dma_wait3A_96 = tpu.memref_slice %arg4[%dma_wait3A_91, %mul3A_2, %dma_wait3A_95] : memref<8x512x1024xf32, #tpu.memory_space<hbm>> -> memref<1x16x1024xf32, #tpu.memory_space<hbm>>
    %dma_wait3A_97 = tpu.memref_squeeze %dma_wait3A_96 : memref<1x16x1024xf32, #tpu.memory_space<hbm>> -> memref<16x1024xf32, #tpu.memory_space<hbm>>
    tpu.wait_dma2 semaphore(%arg7 : memref<!tpu.dma_semaphore, #tpu.memory_space<semaphore_mem>>) src(%arg6 : memref<16x1024xf32, #tpu.memory_space<vmem>>) dst(%dma_wait3A_97 : memref<16x1024xf32, #tpu.memory_space<hbm>>)
    %dma_wait3A_98 = arith.constant 5 : i32
    %dma_wait3A_99 = arith.constant 0 : i32
    %dma_wait3A_100 = tpu.memref_slice %arg4[%dma_wait3A_98, %mul3A_2, %dma_wait3A_99] : memref<8x512x1024xf32, #tpu.memory_space<hbm>> -> memref<1x16x1024xf32, #tpu.memory_space<hbm>>
    %dma_wait3A_101 = tpu.memref_squeeze %dma_wait3A_100 : memref<1x16x1024xf32, #tpu.memory_space<hbm>> -> memref<16x1024xf32, #tpu.memory_space<hbm>>
    %dma_wait3A_102 = arith.constant 0 : i32
    %dma_wait3A_103 = tpu.memref_slice %arg4[%dma_wait3A_98, %mul3A_2, %dma_wait3A_102] : memref<8x512x1024xf32, #tpu.memory_space<hbm>> -> memref<1x16x1024xf32, #tpu.memory_space<hbm>>
    %dma_wait3A_104 = tpu.memref_squeeze %dma_wait3A_103 : memref<1x16x1024xf32, #tpu.memory_space<hbm>> -> memref<16x1024xf32, #tpu.memory_space<hbm>>
    tpu.wait_dma2 semaphore(%arg7 : memref<!tpu.dma_semaphore, #tpu.memory_space<semaphore_mem>>) src(%arg6 : memref<16x1024xf32, #tpu.memory_space<vmem>>) dst(%dma_wait3A_104 : memref<16x1024xf32, #tpu.memory_space<hbm>>)
    %dma_wait3A_105 = arith.constant 6 : i32
    %dma_wait3A_106 = arith.constant 0 : i32
    %dma_wait3A_107 = tpu.memref_slice %arg4[%dma_wait3A_105, %mul3A_2, %dma_wait3A_106] : memref<8x512x1024xf32, #tpu.memory_space<hbm>> -> memref<1x16x1024xf32, #tpu.memory_space<hbm>>
    %dma_wait3A_108 = tpu.memref_squeeze %dma_wait3A_107 : memref<1x16x1024xf32, #tpu.memory_space<hbm>> -> memref<16x1024xf32, #tpu.memory_space<hbm>>
    %dma_wait3A_109 = arith.constant 0 : i32
    %dma_wait3A_110 = tpu.memref_slice %arg4[%dma_wait3A_105, %mul3A_2, %dma_wait3A_109] : memref<8x512x1024xf32, #tpu.memory_space<hbm>> -> memref<1x16x1024xf32, #tpu.memory_space<hbm>>
    %dma_wait3A_111 = tpu.memref_squeeze %dma_wait3A_110 : memref<1x16x1024xf32, #tpu.memory_space<hbm>> -> memref<16x1024xf32, #tpu.memory_space<hbm>>
    tpu.wait_dma2 semaphore(%arg7 : memref<!tpu.dma_semaphore, #tpu.memory_space<semaphore_mem>>) src(%arg6 : memref<16x1024xf32, #tpu.memory_space<vmem>>) dst(%dma_wait3A_111 : memref<16x1024xf32, #tpu.memory_space<hbm>>)
    %dma_wait3A_112 = arith.constant 7 : i32
    %dma_wait3A_113 = arith.constant 0 : i32
    %dma_wait3A_114 = tpu.memref_slice %arg4[%dma_wait3A_112, %mul3A_2, %dma_wait3A_113] : memref<8x512x1024xf32, #tpu.memory_space<hbm>> -> memref<1x16x1024xf32, #tpu.memory_space<hbm>>
    %dma_wait3A_115 = tpu.memref_squeeze %dma_wait3A_114 : memref<1x16x1024xf32, #tpu.memory_space<hbm>> -> memref<16x1024xf32, #tpu.memory_space<hbm>>
    %dma_wait3A_116 = arith.constant 0 : i32
    %dma_wait3A_117 = tpu.memref_slice %arg4[%dma_wait3A_112, %mul3A_2, %dma_wait3A_116] : memref<8x512x1024xf32, #tpu.memory_space<hbm>> -> memref<1x16x1024xf32, #tpu.memory_space<hbm>>
    %dma_wait3A_118 = tpu.memref_squeeze %dma_wait3A_117 : memref<1x16x1024xf32, #tpu.memory_space<hbm>> -> memref<16x1024xf32, #tpu.memory_space<hbm>>
    tpu.wait_dma2 semaphore(%arg7 : memref<!tpu.dma_semaphore, #tpu.memory_space<semaphore_mem>>) src(%arg6 : memref<16x1024xf32, #tpu.memory_space<vmem>>) dst(%dma_wait3A_118 : memref<16x1024xf32, #tpu.memory_space<hbm>>)
    return
  }
}

</mosaic_0001>

<sc_bundles>
// kernel: kernel.3.cloned.1.call-start
scs
__scs_entry_jumppad:
0x0: {  	(pc) =	sbr.rel $0x88, $3  }
0x1: {  	(tag) =	ssettag $0x0;
	lr =	simm.s32 $0x1  }
0x2: {  	[smem:$0x3F9F] =	sst lr;
	_ =	strace $0xD0000000  }
0x3: {  	_ = 	snop  }
0x4: {  	_ = 	snop  }
0x5: {  	_ = 	snop  }
0x6: {  	_ = 	snop  }
0x7: {  	_ = 	snop  }
__scs_overlays_trampoline_lowered:
0x8: {  	[smem:$0x3FAE] =	sst s0  }
0x9: {  	[smem:$0x3FAF] =	sst s1  }
0xa: {  	[smem:$0x3FB0] =	sst s2  }
0xb: {  	[smem:$0x3FB1] =	sst s3  }
0xc: {  	[smem:$0x3FB2] =	sst s4  }
0xd: {  	[smem:$0x3FB3] =	sst s5  }
0xe: {  	[smem:$0x3FB4] =	sst s6  }
0xf: {  	[smem:$0x3FB5] =	sst s7  }
0x10: {  	[smem:$0x3FB6] =	sst s8  }
0x11: {  	[smem:$0x3FB7] =	sst s9;
	s0 =	simm.s32 @!p0 $0x0  }
0x12: {  	s1 =	sld [smem:$0x3F9D];
	s0 =	simm.s32 @p0 $0x1  }
0x13: {  	[smem:$0x3FB8] =	sst s0;
	s0 =	simm.s32 @!p1 $0x0  }
0x14: {  	s2 =	sld [smem:$0x3F9C];
	s0 =	simm.s32 @p1 $0x1  }
0x15: {  	[smem:$0x3FB9] =	sst s0;
	s0 =	simm.s32 @!p2 $0x0  }
0x16: {  	s3 =	sld [smem:$0x3FDB];
	s0 =	simm.s32 @p2 $0x1  }
0x17: {  	s4 =	simm.s32 $0x1BF5;
	[smem:$0x3FBB] =	sst s0  }
0x18: {  	s0 =	sld [smem:$0x3F9E];
	_ =	swait.ge [sflag:s4], $0x0  }
0x19: {  	s7 =	sld [smem:$0x3F9F]  }
0x1a: {  	s8 =	sadd.s32 $0xFFFFE003, lr  }
0x1b: {  	s9 =	sadd.s32 $0xFFFFFEF7, lr;
	s5 =	simm.s32 $0xFFFFFFFF;
	p2 =	slt.u32 s8, $0xFFFFF086  }
0x1c: {  	p1 =	slt.u32 s9, $0xF7A;
	s5 =	simm.s32 @!p2 $0x0  }
0x1d: {  	s5 =	simm.s32 @p1 $0x1;
	p0 =	seq.s32 s7, s2  }
0x1e: {  	s7 =	smul.u32 @!p0 $0xF7A, s2;
	p2 =	seq.s32 @!p0 s5, $0x0  }
0x1f: {  	s9 =	smul.u32 $0xF7A, s1;
	s8 =	simm.s32 @!p0 $0x1BF5;
	p2 =	por !p2, p0  }
0x20: {  	[sflag:s8] =	ssyncset.s32 @!p0 $0xFFFFF086;
	s6 =	sadd.s32 @!p0 s3, s7;
	s7 =	simm.s32 @!p0 $0x108  }
0x21: {  	s3 =	sadd.s32 s3, s9;
	s6 =	sadd.s32 @!p0 $0x88, s6;
	s7 =	simm.s32 @p2 $0x1082  }
0x22: {  	[simem:s7], [sflag:s8] =	dma.local @!p0 [hbm:s6], $0xF7A  }
0x23: {  	s9 =	sor.u32 $0xD0000000, s2;
	s6 =	simm.s32 $0x108;
	_ =	swait.ge @!p0 [sflag:s8], $0x0  }
0x24: {  	s3 =	sadd.s32 $0x88, s3;
	s6 =	simm.s32 @!p1 $0x1082;
	[sflag:s4] =	ssyncset.s32 $0xFFFFF086  }
0x25: {  	[simem:s6], [sflag:s4] =	dma.local [hbm:s3], $0xF7A  }
0x26: {  	[smem:$0x3F9F] =	sst s1;
	(tag) =	ssettag s2;
	_ =	strace s9  }
0x27: {  	s1 =	sld [smem:$0x3FAF]  }
0x28: {  	s2 =	sld [smem:$0x3FB0]  }
0x29: {  	s4 =	sld [smem:$0x3FB2]  }
0x2a: {  	p0 =	seq.s32 s5, $0x0;
	s5 =	sld [smem:$0x3FB3]  }
0x2b: {  	s6 =	sld [smem:$0x3FB4]  }
0x2c: {  	s7 =	sld [smem:$0x3FB5]  }
0x2d: {  	s3 =	simm.s32 $0x108;
	s8 =	sld [smem:$0x3FB6]  }
0x2e: {  	s3 =	simm.s32 @!p0 $0x1082;
	s9 =	sld [smem:$0x3FB7]  }
0x2f: {  	lr =	sadd.s32 s0, s3;
	s0 =	sld [smem:$0x3FAE]  }
0x30: {  	s3 =	sld [smem:$0x3FB1]  }
0x31: {  	[smem:$0x3FBA] =	sst s10  }
0x32: {  	s10 =	sld [smem:$0x3FB8];
	_ =	sdelay $0x3  }
0x33: {  	p0 =	seq.s32 s10, $0x1;
	s10 =	sld [smem:$0x3FBA];
	_ =	sdelay $0x3  }
0x34: {  	[smem:$0x3FBA] =	sst s10  }
0x35: {  	s10 =	sld [smem:$0x3FB9];
	_ =	sdelay $0x3  }
0x36: {  	p1 =	seq.s32 s10, $0x1;
	s10 =	sld [smem:$0x3FBA];
	_ =	sdelay $0x3  }
0x37: {  	[smem:$0x3FBA] =	sst s10  }
0x38: {  	s10 =	sld [smem:$0x3FBB]  }
0x39: {  	_ = 	snop;
	(pc) =	sbr.ind lr, $3  }
0x3a: {  	_ = 	snop  }
0x3b: {  	_ = 	snop  }
0x3c: {  	p2 =	seq.s32 s10, $0x1;
	s10 =	sld [smem:$0x3FBA]  }
0x3d: {  	_ =	shalt  }
0x3e: {  	_ =	shalt  }
0x3f: {  	_ =	shalt  }
0x40: {  	_ =	shalt  }
0x41: {  	_ =	shalt  }
0x42: {  	_ =	shalt  }
0x43: {  	_ =	shalt  }
0x44: {  	_ =	shalt  }
0x45: {  	_ =	shalt  }
0x46: {  	_ =	shalt  }
0x47: {  	_ =	shalt  }
0x48: {  	_ =	shalt  }
0x49: {  	_ =	shalt  }
0x4a: {  	_ =	shalt  }
0x4b: {  	_ =	shalt  }
0x4c: {  	_ =	shalt  }
0x4d: {  	_ =	shalt  }
0x4e: {  	_ =	shalt  }
0x4f: {  	_ =	shalt  }
0x50: {  	_ =	shalt  }
0x51: {  	_ =	shalt  }
0x52: {  	_ =	shalt  }
0x53: {  	_ =	shalt  }
0x54: {  	_ =	shalt  }
0x55: {  	_ =	shalt  }
0x56: {  	_ =	shalt  }
0x57: {  	_ =	shalt  }
0x58: {  	_ =	shalt  }
0x59: {  	_ =	shalt  }
0x5a: {  	_ =	shalt  }
0x5b: {  	_ =	shalt  }
0x5c: {  	_ =	shalt  }
0x5d: {  	_ =	shalt  }
0x5e: {  	_ =	shalt  }
0x5f: {  	_ =	shalt  }
0x60: {  	_ =	shalt  }
0x61: {  	_ =	shalt  }
0x62: {  	_ =	shalt  }
0x63: {  	_ =	shalt  }
0x64: {  	_ =	shalt  }
0x65: {  	_ =	shalt  }
0x66: {  	_ =	shalt  }
0x67: {  	_ =	shalt  }
0x68: {  	_ =	shalt  }
0x69: {  	_ =	shalt  }
0x6a: {  	_ =	shalt  }
0x6b: {  	_ =	shalt  }
0x6c: {  	_ =	shalt  }
0x6d: {  	_ =	shalt  }
0x6e: {  	_ =	shalt  }
0x6f: {  	_ =	shalt  }
0x70: {  	_ =	shalt  }
0x71: {  	_ =	shalt  }
0x72: {  	_ =	shalt  }
0x73: {  	_ =	shalt  }
0x74: {  	_ =	shalt  }
0x75: {  	_ =	shalt  }
0x76: {  	_ =	shalt  }
0x77: {  	_ =	shalt  }
0x78: {  	_ =	shalt  }
0x79: {  	_ =	shalt  }
0x7a: {  	_ =	shalt  }
0x7b: {  	_ =	shalt  }
0x7c: {  	_ =	shalt  }
0x7d: {  	_ =	shalt  }
0x7e: {  	_ =	shalt  }
0x7f: {  	_ =	shalt  }
0x80: {  	_ =	shalt  }
0x81: {  	_ =	shalt  }
0x82: {  	_ =	shalt  }
0x83: {  	_ =	shalt  }
0x84: {  	_ =	shalt  }
0x85: {  	_ =	shalt  }
0x86: {  	_ =	shalt  }
0x87: {  	_ =	shalt  }
.Lfunc_end0:
.L_simem_size_0:
called_computation_lowered:
.L_overlay_start_0:
0x88: {  	s2 =	sld [smem:$0x3FD9]  }
0x89: {  	s3 =	sld [smem:$0x3FFE];
	_ =	sdelay $0x1  }
0x8a: {  	s1 =	srdreg.scid  }
0x8b: {  	s0 =	sand.u32 $0x1, s1  }
0x8c: {  	s17 =	sshll.u32 s0, $0xA;
	s2 =	sadd.s32 s3, s2  }
0x8d: {  	s2 =	sadd.s32 s2, s17  }
0x8e: {  	[smem:$0x3FC6] =	sst s2  }
0x8f: {  	_ = 	snop  }
0x90: {  	s2 =	sld [smem:$0x3FC9]  }
0x91: {  	s18 =	sld [smem:$0x3FC8];
	(tm) =	ssettm $0x1  }
0x92: {  	s4 =	sld [smem:$0x3FFB];
	_ =	sdelay $0x3  }
0x93: {  	_ =	strace s4  }
0x94: {  	s4 =	sld [smem:$0x3FFC];
	_ =	sdelay $0x3  }
0x95: {  	_ =	strace s4  }
0x96: {  	s4 =	sld [smem:$0x3FFD];
	_ =	sdelay $0x3  }
0x97: {  	_ =	strace s4  }
0x98: {  	_ =	strace $0x8FFFFFFF  }
0x99: {  	s19 =	sld [smem:$0x3FDB];
	_ =	sdelay $0x1  }
0x9a: {  	s5 =	simm.s32 $_scs_section_size  }
0x9b: {  	s6 =	simm.s32 $_size__tile_overlayer_lowered;
	s7 =	simm.s32 $_tile_overlayer_lowered  }
0x9c: {  	s22 =	simm.s32 $0x1BFF;
	s21 =	sshll.u32 s7, $0x1;
	s4 =	sadd.s32 s5, s19  }
0x9d: {  	s8 =	simm.s32 $0x0;
	s20 =	sshll.u32 s6, $0x1;
	s6 =	sadd.s32 s21, s4  }
0x9e: {  	[timem:s8], [sflag:s22] =	dma.local [hbm:s6], s20  }
0x9f: {  	_ =	swait.ge [sflag:s22], s20  }
0xa0: {  	s5 =	ssub.s32 $0x0, s20;
	[sflag:s22] =	ssyncset.done $0x0  }
0xa1: {  	[sflag:s22] =	ssyncadd.s32 s5;
	_ =	sdelay $0x1  }
0xa2: {  	s23 =	simm.s32 $0x1B8B  }
0xa3: {  	_ =	swait.ge [sflag:s23], $0x1  }
0xa4: {  	[sflag:s23] =	ssyncset.done $0x0  }
0xa5: {  	s25 =	simm.s32 $0x1B8E;
	s24 =	sld [smem:$0x3FFE];
	[sflag:s23] =	ssyncadd.s32 $0xFFFFFFFF  }
0xa6: {  	s26 =	simm.s32 $execute0_lowered;
	[smem:$0x3FD2] =	sst s25  }
0xa7: {  	s6 =	sshll.u32 s26, $0x1;
	_ =	strace $0x80000046;
	[dreg:$0x1] =	wrdreg $0xFFFFFFFF  }
0xa8: {  	s28 =	simm.s32 $_size_execute0_lowered;
	s4 =	sadd.s32 s4, s6;
	[dreg:$0x0] =	wrdreg $0x0  }
0xa9: {  	s6 =	sshll.u32 s28, $0x1;
	[dreg:$0x2] =	wrdreg s4  }
0xaa: {  	[dreg:$0x3] =	wrdreg s6  }
0xab: {  	[dreg:$0x4] =	wrdreg $0xC0  }
0xac: {  	_ =	task [dreg:s8], $0x5FFFF  }
0xad: {  	[dreg:$0x1] =	wrdreg $0xFFFFFFFF  }
0xae: {  	[dreg:$0x0] =	wrdreg $0x60  }
0xaf: {  	[dreg:$0x2] =	wrdreg s2  }
0xb0: {  	[dreg:$0x3] =	wrdreg s18  }
0xb1: {  	[dreg:$0x4] =	wrdreg s24  }
0xb2: {  	[dreg:$0x5] =	wrdreg $0x9  }
0xb3: {  	_ =	task.clear_ibuf [dreg:s8], $0x6FFFF;
	_ =	strace $0x90000046  }
0xb4: {  	s29 =	simm.s32 $0x9;
	_ =	strace $0x80000048  }
0xb5: {  	_ =	swait.ge [sflag:s29], $0x1  }
0xb6: {  	[sflag:s29] =	ssyncadd.s32 $0xFFFFFFFF  }
0xb7: {  	_ =	strace $0x90000048  }
0xb8: {  	_ =	sfence  }
0xb9: {  	s30 =	sld [smem:$0x0];
	_ =	sdelay $0x2  }
0xba: {  	s31 =	sshll.u32 s1, $0xD;
	s1 =	sshrl.u32 s1, $0x2  }
0xbb: {  	s3 =	sand.u32 $0x4000, s31;
	s1 =	sadd.s32 s1, s30  }
0xbc: {  	s0 =	sor.u32 s3, s0;
	s1 =	sshll.u32 s1, $0x11  }
0xbd: {  	s0 =	sor.u32 s1, s0  }
0xbe: {  	s0 =	sadd.s32 $0x8F2B, s0  }
0xbf: {  	[sflag:s0] =	ssyncadd.remote.s32 $0x1  }
0xc0: {  	_ =	sfence.sel $0xFFFF  }
0xc1: {  	[dreg:$0x0] =	wrdreg $0xFFFFFFFF;
	(pc) =	sbr.abs _section_cstart, $3  }
0xc2: {  	[dreg:$0x1] =	wrdreg $0xFFFFFFFF  }
0xc3: {  	_ =	task.clear_ibuf [dreg:s8], $0x2FFFF;
	_ =	strace $0x9FFFFFFF  }
0xc4: {  	(tm) =	ssettm $0x7FFFFFFF  }
0xc5: {  	_ =	shalt  }
tec
execute0_lowered:
.L_overlay_start_1:
0x0: {  	(tag) =	ssettag $0x1  }
0x1: {  	v0 =	vimm.s32 $0xB80;
	vm0 =	vcmask $0x300;
	v1 =	vimm.s32 $0x1B80  }
0x2: {  	vm1 =	vcmask $0x704;
	s0 =	rddreg [dreg:$0x0];
	v0 =	vsel vm0, $0x0, v0;
	v1 =	vsel vm0, $0x1000, v1  }
0x3: {  	vm15 =	vcmask $0xB08;
	s1 =	rddreg [dreg:$0x1];
	v0 =	vsel vm1, $0x80, v0;
	v1 =	vsel vm1, $0x1080, v1  }
0x4: {  	vm4 =	vcmask $0xF0C;
	s5 =	rddreg [dreg:$0x2];
	v0 =	vsel vm15, $0x100, v0;
	v1 =	vsel vm15, $0x1100, v1  }
0x5: {  	s4 =	srdreg.scid;
	vm5 =	vcmask $0x1310;
	s2 =	rddreg [dreg:$0x3];
	v0 =	vsel vm4, $0x180, v0;
	v1 =	vsel vm4, $0x1180, v1  }
0x6: {  	s3 =	simm.s32 $0x0;
	vm6 =	vcmask $0x1714;
	s18 =	simm.s32 $0x4000;
	s19 =	simm.s32 $0x1;
	v0 =	vsel vm5, $0x200, v0;
	v1 =	vsel vm5, $0x1200, v1  }
0x7: {  	vm7 =	vcmask $0x1B18;
	s20 =	simm.s32 $0x0;
	s16 =	sand.u32 $0x1, s4;
	[smem:$0x7FF] =	sst s3;
	v0 =	vsel vm6, $0x280, v0;
	v1 =	vsel vm6, $0x1280, v1  }
0x8: {  	vm8 =	vcmask $0x1F1C;
	s4 =	stileid.u32;
	s6 =	sshll.u32 s16, $0x4;
	_ =	strace $0x80000047;
	v0 =	vsel vm7, $0x300, v0;
	v1 =	vsel vm7, $0x1300, v1  }
0x9: {  	vm9 =	vcmask $0x2320;
	s7 =	ssub.s32 $0x2, s16;
	s15 =	sshll.u32 s16, $0x8;
	s17 =	sshll.u32 s4, $0x4;
	v0 =	vsel vm8, $0x380, v0;
	v1 =	vsel vm8, $0x1380, v1  }
0xa: {  	vm10 =	vcmask $0x2724;
	p0 =	sne.s32 s16, $0x0;
	s16 =	simm.s32 $0x2;
	s6 =	sor.u32 s4, s6;
	v0 =	vsel vm9, $0x800, v0;
	v1 =	vsel vm9, $0x1800, v1  }
0xb: {  	vm11 =	vcmask $0x2B28;
	s9 =	sshrl.u32 s7, $0x1;
	s15 =	sor.u32 s17, s15;
	s17 =	simm.s32 $0x2000;
	v0 =	vsel vm10, $0x880, v0;
	v1 =	vsel vm10, $0x1880, v1  }
.Ltmp0:
0xc: {  	vm12 =	vcmask $0x2F2C;
	s8 =	sshll.u32 s6, $0xB;
	s6 =	sshll.u32 s6, $0x4;
	v0 =	vsel vm11, $0x900, v0;
	v1 =	vsel vm11, $0x1900, v1;
	(pc) =	sbr.rel .LBB2_1-.Ltmp0, $4  }
0xd: {  	vm13 =	vcmask $0x3330;
	s14 =	ssub.s32 s7, s9;
	s13 =	sadd.s32 s8, s5;
	s5 =	sadd.s32 $0xFFFFFF00, s6;
	v0 =	vsel vm12, $0x980, v0;
	v1 =	vsel vm12, $0x1980, v1  }
0xe: {  	vm14 =	vcmask $0x3734;
	s14 =	smax.u32 s14, $0x1;
	s6 =	sadd.s32 $0x400, s13;
	s7 =	sadd.s32 $0x10400, s13;
	v0 =	vsel vm13, $0xA00, v0;
	v1 =	vsel vm13, $0x1A00, v1  }
0xf: {  	vm15 =	vcmask $0x3B38;
	s8 =	sadd.s32 $0x20400, s13;
	s9 =	sadd.s32 $0x30400, s13;
	s10 =	sadd.s32 $0x40400, s13;
	v0 =	vsel vm14, $0xA80, v0;
	v1 =	vsel vm14, $0x1A80, v1  }
0x10: {  	s11 =	sadd.s32 $0x50400, s13;
	s12 =	sadd.s32 $0x60400, s13;
	s13 =	sadd.s32 $0x70400, s13;
	v0 =	vsel vm15, $0xB00, v0;
	v1 =	vsel vm15, $0x1B00, v1  }
.LBB2_8:
0x11: {  	[hbm4b:s6+s3] =	stream.linear.scatter [tilespmem:s18], [sflag:$0x1], $0x4000, $0x38;
	[tilespmem:$0x8000] =	vst v63  }
0x12: {  	_ = 	snop  }
0x13: {  	[hbm4b:s7+s3] =	stream.linear.scatter [tilespmem:s18], [sflag:$0x1], $0x4000, $0x38;
	[tilespmem:$0x8000] =	vst v63  }
0x14: {  	_ = 	snop  }
0x15: {  	[hbm4b:s8+s3] =	stream.linear.scatter [tilespmem:s18], [sflag:$0x1], $0x4000, $0x38;
	[tilespmem:$0x8000] =	vst v63  }
0x16: {  	_ = 	snop  }
0x17: {  	[hbm4b:s9+s3] =	stream.linear.scatter [tilespmem:s18], [sflag:$0x1], $0x4000, $0x38;
	[tilespmem:$0x8000] =	vst v63  }
0x18: {  	_ = 	snop  }
0x19: {  	[hbm4b:s10+s3] =	stream.linear.scatter [tilespmem:s18], [sflag:$0x1], $0x4000, $0x38;
	[tilespmem:$0x8000] =	vst v63  }
0x1a: {  	_ = 	snop  }
0x1b: {  	[hbm4b:s11+s3] =	stream.linear.scatter [tilespmem:s18], [sflag:$0x1], $0x4000, $0x38;
	[tilespmem:$0x8000] =	vst v63  }
0x1c: {  	_ = 	snop  }
0x1d: {  	[hbm4b:s12+s3] =	stream.linear.scatter [tilespmem:s18], [sflag:$0x1], $0x4000, $0x38;
	[tilespmem:$0x8000] =	vst v63  }
0x1e: {  	_ = 	snop  }
0x1f: {  	[hbm4b:s13+s3] =	stream.linear.scatter [tilespmem:s18], [sflag:$0x1], $0x4000, $0x38;
	[tilespmem:$0x8000] =	vst v63  }
0x20: {  	_ =	swait.ge [sflag:s19], $0x4000  }
0x21: {  	[sflag:s19] =	ssyncset.done $0x0  }
0x22: {  	[sflag:s19] =	ssyncadd.s32 $0xFFFFC000  }
0x23: {  	_ =	swait.ge [sflag:s19], $0x4000  }
0x24: {  	[sflag:s19] =	ssyncset.done $0x0  }
0x25: {  	[sflag:s19] =	ssyncadd.s32 $0xFFFFC000  }
0x26: {  	_ =	swait.ge [sflag:s19], $0x4000  }
0x27: {  	[sflag:s19] =	ssyncset.done $0x0  }
0x28: {  	[sflag:s19] =	ssyncadd.s32 $0xFFFFC000  }
0x29: {  	_ =	swait.ge [sflag:s19], $0x4000  }
0x2a: {  	[sflag:s19] =	ssyncset.done $0x0  }
0x2b: {  	[sflag:s19] =	ssyncadd.s32 $0xFFFFC000  }
0x2c: {  	_ =	swait.ge [sflag:s19], $0x4000  }
0x2d: {  	[sflag:s19] =	ssyncset.done $0x0  }
0x2e: {  	[sflag:s19] =	ssyncadd.s32 $0xFFFFC000  }
0x2f: {  	_ =	swait.ge [sflag:s19], $0x4000  }
0x30: {  	[sflag:s19] =	ssyncset.done $0x0  }
0x31: {  	s20 =	sadd.s32 $0x1, s20;
	[sflag:s19] =	ssyncadd.s32 $0xFFFFC000  }
0x32: {  	p1 =	sne.s32 s20, s14;
	_ =	swait.ge [sflag:s19], $0x4000  }
.Ltmp1:
0x33: {  	[sflag:s19] =	ssyncset.done $0x0;
	(pc) =	sbr.rel @!p1 .LBB2_9-.Ltmp1, $4  }
0x34: {  	[sflag:s19] =	ssyncadd.s32 $0xFFFFC000  }
0x35: {  	_ =	swait.ge [sflag:s19], $0x4000  }
0x36: {  	[sflag:s19] =	ssyncset.done $0x0  }
0x37: {  	[sflag:s19] =	ssyncadd.s32 $0xFFFFC000  }
.LBB2_1:
0x38: {  	[tilespmem:s3], [sflag:$0x2] =	stream.linear.gather [hbm4b:s1+s3], $0x2000, $0x38;
	[tilespmem:$0x8000] =	vst v63  }
0x39: {  	_ =	swait.ge [sflag:s16], $0x2000  }
0x3a: {  	[sflag:s16] =	ssyncset.done $0x0  }
.Ltmp2:
0x3b: {  	[sflag:s16] =	ssyncadd.s32 $0xFFFFE000;
	(pc) =	sbr.rel @p0 .LBB2_5-.Ltmp2, $4  }
0x3c: {  	[tilespmem:s17], [sflag:$0x2] =	stream.linear.gather [hbm4b:s0+s3], $0x2000, $0x38;
	[tilespmem:$0x8000] =	vst v63  }
0x3d: {  	_ =	swait.ge [sflag:s16], $0x2000  }
0x3e: {  	[sflag:s16] =	ssyncset.done $0x0  }
0x3f: {  	s21 =	simm.s32 $0x0;
	[sflag:s16] =	ssyncadd.s32 $0xFFFFE000  }
0x40: {  	v2 =	vmov s15  }
0x41: {  	v3 =	vshll.u32 v2, $0x3  }
0x42: {  	v2 =	vand.u32 $0x7F, v2;
	v3 =	vand.u32 $0x7FFFFC00, v3  }
0x43: {  	v2 =	vor.u32 v2, v3  }
0x44: {  	v3 =	vadd.s32 v1, v2;
	_ =	sdelay $0x4  }
0x45: {  	v4 =	vadd.s32 v0, v2;
	v2 =	vld.idx.msk [tilespmem:v3+s3+$0x0], $0xffff;
	_ =	sdelay $0x2  }
0x46: {  	s21 =	sand.u32 $0x2000, s3;
	s22 =	sand.u32 $0x380, s3  }
0x47: {  	s21 =	sor.u32 s22, s21  }
0x48: {  	v3 =	vld.idx.msk [tilespmem:v4+s3+$0x0], $0xffff;
	[tilespmem:s21+$0x5C30] =	vst v2  }
0x49: {  	[tilespmem:s21+$0x4430] =	vst v2  }
0x4a: {  	[tilespmem:s21+$0x4410] =	vst v2  }
0x4b: {  	[tilespmem:s21+$0x4070] =	vst v2  }
0x4c: {  	[tilespmem:s21+$0x4050] =	vst v2  }
0x4d: {  	[tilespmem:s21+$0x4030] =	vst v2  }
0x4e: {  	[tilespmem:s21+$0x4440] =	vst v3  }
0x4f: {  	[tilespmem:s21+$0x4420] =	vst v3  }
0x50: {  	[tilespmem:s21+$0x4400] =	vst v3  }
0x51: {  	[tilespmem:s21+$0x4060] =	vst v3  }
0x52: {  	[tilespmem:s21+$0x4040] =	vst v3  }
0x53: {  	[tilespmem:s21+$0x4020] =	vst v3  }
0x54: {  	[tilespmem:s21+$0x4010] =	vst v2  }
0x55: {  	[tilespmem:s21+$0x4000] =	vst v3  }
0x56: {  	[tilespmem:s21+$0x5C40] =	vst v3  }
0x57: {  	[tilespmem:s21+$0x5C20] =	vst v3  }
0x58: {  	[tilespmem:s21+$0x5C10] =	vst v2  }
0x59: {  	[tilespmem:s21+$0x5C00] =	vst v3  }
0x5a: {  	[tilespmem:s21+$0x5870] =	vst v2  }
0x5b: {  	[tilespmem:s21+$0x5860] =	vst v3  }
0x5c: {  	[tilespmem:s21+$0x5850] =	vst v2  }
0x5d: {  	[tilespmem:s21+$0x5840] =	vst v3  }
0x5e: {  	[tilespmem:s21+$0x5830] =	vst v2  }
0x5f: {  	[tilespmem:s21+$0x5820] =	vst v3  }
0x60: {  	[tilespmem:s21+$0x5810] =	vst v2  }
0x61: {  	[tilespmem:s21+$0x5800] =	vst v3  }
0x62: {  	[tilespmem:s21+$0x5470] =	vst v2  }
0x63: {  	[tilespmem:s21+$0x5460] =	vst v3  }
0x64: {  	[tilespmem:s21+$0x5450] =	vst v2  }
0x65: {  	[tilespmem:s21+$0x5440] =	vst v3  }
0x66: {  	[tilespmem:s21+$0x5430] =	vst v2  }
0x67: {  	[tilespmem:s21+$0x5420] =	vst v3  }
0x68: {  	[tilespmem:s21+$0x5410] =	vst v2  }
0x69: {  	[tilespmem:s21+$0x5400] =	vst v3  }
0x6a: {  	[tilespmem:s21+$0x5070] =	vst v2  }
0x6b: {  	[tilespmem:s21+$0x5060] =	vst v3  }
0x6c: {  	[tilespmem:s21+$0x5050] =	vst v2  }
0x6d: {  	[tilespmem:s21+$0x5040] =	vst v3  }
0x6e: {  	[tilespmem:s21+$0x5030] =	vst v2  }
0x6f: {  	[tilespmem:s21+$0x5020] =	vst v3  }
0x70: {  	[tilespmem:s21+$0x5010] =	vst v2  }
0x71: {  	[tilespmem:s21+$0x5000] =	vst v3  }
0x72: {  	[tilespmem:s21+$0x4C70] =	vst v2  }
0x73: {  	[tilespmem:s21+$0x4C60] =	vst v3  }
0x74: {  	[tilespmem:s21+$0x4C50] =	vst v2  }
0x75: {  	[tilespmem:s21+$0x4C40] =	vst v3  }
0x76: {  	[tilespmem:s21+$0x4C30] =	vst v2  }
0x77: {  	[tilespmem:s21+$0x4C20] =	vst v3  }
0x78: {  	[tilespmem:s21+$0x4C10] =	vst v2  }
0x79: {  	[tilespmem:s21+$0x4C00] =	vst v3  }
0x7a: {  	[tilespmem:s21+$0x4870] =	vst v2  }
0x7b: {  	[tilespmem:s21+$0x4860] =	vst v3  }
0x7c: {  	[tilespmem:s21+$0x4850] =	vst v2  }
0x7d: {  	[tilespmem:s21+$0x4840] =	vst v3  }
0x7e: {  	s24 =	sadd.s32 $0x1, s15;
	[tilespmem:s21+$0x4830] =	vst v2  }
0x7f: {  	s25 =	simm.s32 $0x800;
	s23 =	simm.s32 $0x0;
	s22 =	simm.s32 $0x400;
	v4 =	vmov s24;
	[tilespmem:s21+$0x4820] =	vst v3  }
.LBB2_3:
0x80: {  	p1 =	seq.s32 s25, $0x3C00;
	v5 =	vshll.u32 v4, $0x3;
	[tilespmem:s21+$0x4810] =	vst v2  }
0x81: {  	v4 =	vand.u32 $0x7F, v4;
	v5 =	vand.u32 $0x7FFFFC00, v5;
	[tilespmem:s21+$0x4800] =	vst v3  }
0x82: {  	v4 =	vor.u32 v4, v5;
	[tilespmem:s21+$0x4470] =	vst v2  }
0x83: {  	v5 =	vadd.s32 v1, v4;
	[tilespmem:s21+$0x4460] =	vst v3  }
0x84: {  	[tilespmem:s21+$0x4450] =	vst v2  }
0x85: {  	[tilespmem:s21+$0x5C50] =	vst v2  }
0x86: {  	[tilespmem:s21+$0x5C60] =	vst v3  }
0x87: {  	[tilespmem:s21+$0x5C70] =	vst v2  }
0x88: {  	v2 =	vld.idx.msk [tilespmem:v5+s3+$0x0], $0xffff  }
0x89: {  	v3 =	vadd.s32 v0, v4;
	_ =	sdelay $0x1  }
0x8a: {  	s23 =	sadd.s32 $0x80, s23  }
0x8b: {  	s26 =	sand.u32 $0x380, s23;
	s21 =	sand.u32 $0x2000, s22;
	s22 =	smov.u32 s25  }
0x8c: {  	s21 =	sor.u32 s26, s21  }
0x8d: {  	v3 =	vld.idx.msk [tilespmem:v3+s3+$0x0], $0xffff;
	[tilespmem:s21+$0x5C30] =	vst v2  }
0x8e: {  	[tilespmem:s21+$0x4430] =	vst v2  }
0x8f: {  	[tilespmem:s21+$0x4410] =	vst v2  }
0x90: {  	[tilespmem:s21+$0x4070] =	vst v2  }
0x91: {  	[tilespmem:s21+$0x4050] =	vst v2  }
0x92: {  	[tilespmem:s21+$0x4030] =	vst v2  }
0x93: {  	[tilespmem:s21+$0x4440] =	vst v3  }
0x94: {  	[tilespmem:s21+$0x4420] =	vst v3  }
0x95: {  	[tilespmem:s21+$0x4400] =	vst v3  }
0x96: {  	[tilespmem:s21+$0x4060] =	vst v3  }
0x97: {  	[tilespmem:s21+$0x4040] =	vst v3  }
0x98: {  	[tilespmem:s21+$0x4020] =	vst v3  }
0x99: {  	[tilespmem:s21+$0x4010] =	vst v2  }
0x9a: {  	[tilespmem:s21+$0x4000] =	vst v3  }
0x9b: {  	[tilespmem:s21+$0x5C40] =	vst v3  }
0x9c: {  	[tilespmem:s21+$0x5C20] =	vst v3  }
0x9d: {  	[tilespmem:s21+$0x5C10] =	vst v2  }
0x9e: {  	[tilespmem:s21+$0x5C00] =	vst v3  }
0x9f: {  	[tilespmem:s21+$0x5870] =	vst v2  }
0xa0: {  	[tilespmem:s21+$0x5860] =	vst v3  }
0xa1: {  	[tilespmem:s21+$0x5850] =	vst v2  }
0xa2: {  	[tilespmem:s21+$0x5840] =	vst v3  }
0xa3: {  	[tilespmem:s21+$0x5830] =	vst v2  }
0xa4: {  	[tilespmem:s21+$0x5820] =	vst v3  }
0xa5: {  	[tilespmem:s21+$0x5810] =	vst v2  }
0xa6: {  	[tilespmem:s21+$0x5800] =	vst v3  }
0xa7: {  	[tilespmem:s21+$0x5470] =	vst v2  }
0xa8: {  	[tilespmem:s21+$0x5460] =	vst v3  }
0xa9: {  	[tilespmem:s21+$0x5450] =	vst v2  }
0xaa: {  	[tilespmem:s21+$0x5440] =	vst v3  }
0xab: {  	[tilespmem:s21+$0x5430] =	vst v2  }
0xac: {  	[tilespmem:s21+$0x5420] =	vst v3  }
0xad: {  	[tilespmem:s21+$0x5410] =	vst v2  }
0xae: {  	[tilespmem:s21+$0x5400] =	vst v3  }
0xaf: {  	[tilespmem:s21+$0x5070] =	vst v2  }
0xb0: {  	[tilespmem:s21+$0x5060] =	vst v3  }
0xb1: {  	[tilespmem:s21+$0x5050] =	vst v2  }
0xb2: {  	[tilespmem:s21+$0x5040] =	vst v3  }
0xb3: {  	[tilespmem:s21+$0x5030] =	vst v2  }
0xb4: {  	[tilespmem:s21+$0x5020] =	vst v3  }
0xb5: {  	[tilespmem:s21+$0x5010] =	vst v2  }
0xb6: {  	[tilespmem:s21+$0x5000] =	vst v3  }
0xb7: {  	[tilespmem:s21+$0x4C70] =	vst v2  }
0xb8: {  	[tilespmem:s21+$0x4C60] =	vst v3  }
0xb9: {  	[tilespmem:s21+$0x4C50] =	vst v2  }
0xba: {  	[tilespmem:s21+$0x4C40] =	vst v3  }
0xbb: {  	[tilespmem:s21+$0x4C30] =	vst v2  }
0xbc: {  	[tilespmem:s21+$0x4C20] =	vst v3  }
0xbd: {  	[tilespmem:s21+$0x4C10] =	vst v2  }
0xbe: {  	[tilespmem:s21+$0x4C00] =	vst v3  }
0xbf: {  	[tilespmem:s21+$0x4870] =	vst v2  }
.Ltmp3:
0xc0: {  	[tilespmem:s21+$0x4860] =	vst v3;
	(pc) =	sbr.rel @!p1 .LBB2_3-.Ltmp3, $4  }
0xc1: {  	[tilespmem:s21+$0x4850] =	vst v2  }
0xc2: {  	[tilespmem:s21+$0x4840] =	vst v3  }
0xc3: {  	s24 =	sadd.s32 $0x1, s24;
	[tilespmem:s21+$0x4830] =	vst v2  }
0xc4: {  	v4 =	vmov s24;
	s25 =	sadd.s32 $0x400, s25;
	[tilespmem:s21+$0x4820] =	vst v3  }
0xc5: {  	v5 =	vshll.u32 v4, $0x3;
	[tilespmem:s21+$0x4810] =	vst v2  }
0xc6: {  	v63 =	vand.u32 $0x7F, v4;
	[tilespmem:s21+$0x4800] =	vst v3;
	v5 =	vand.u32 $0x7FFFFC00, v5  }
0xc7: {  	[tilespmem:s21+$0x4470] =	vst v2;
	v4 =	vor.u32 v63, v5  }
0xc8: {  	[tilespmem:s21+$0x4460] =	vst v3;
	v5 =	vadd.s32 v1, v4  }
0xc9: {  	[tilespmem:s21+$0x4450] =	vst v2  }
0xca: {  	[tilespmem:s21+$0x5C50] =	vst v2  }
0xcb: {  	[tilespmem:s21+$0x5C60] =	vst v3  }
0xcc: {  	[tilespmem:s21+$0x5C70] =	vst v2  }
0xcd: {  	v2 =	vadd.s32 v0, v4;
	v3 =	vld.idx.msk [tilespmem:v5+s3+$0x0], $0xffff;
	_ =	sdelay $0x1  }
0xce: {  	s31 =	sadd.s32 $0x80, s23  }
0xcf: {  	s22 =	sand.u32 $0x2000, s22;
	s21 =	sand.u32 $0x380, s31  }
0xd0: {  	s21 =	sor.u32 s21, s22  }
0xd1: {  	v2 =	vld.idx.msk [tilespmem:v2+s3+$0x0], $0xffff;
	[tilespmem:s21+$0x5C30] =	vst v3  }
0xd2: {  	[tilespmem:s21+$0x4430] =	vst v3  }
0xd3: {  	[tilespmem:s21+$0x4410] =	vst v3  }
0xd4: {  	[tilespmem:s21+$0x4070] =	vst v3  }
0xd5: {  	[tilespmem:s21+$0x4050] =	vst v3  }
0xd6: {  	[tilespmem:s21+$0x4030] =	vst v3  }
0xd7: {  	[tilespmem:s21+$0x4440] =	vst v2  }
0xd8: {  	[tilespmem:s21+$0x4420] =	vst v2  }
0xd9: {  	[tilespmem:s21+$0x4400] =	vst v2  }
0xda: {  	[tilespmem:s21+$0x4060] =	vst v2  }
0xdb: {  	[tilespmem:s21+$0x4040] =	vst v2  }
0xdc: {  	[tilespmem:s21+$0x4020] =	vst v2  }
0xdd: {  	[tilespmem:s21+$0x4010] =	vst v3  }
0xde: {  	[tilespmem:s21+$0x4000] =	vst v2  }
0xdf: {  	[tilespmem:s21+$0x5C40] =	vst v2  }
0xe0: {  	[tilespmem:s21+$0x5C20] =	vst v2  }
0xe1: {  	[tilespmem:s21+$0x5C10] =	vst v3  }
0xe2: {  	[tilespmem:s21+$0x5C00] =	vst v2  }
0xe3: {  	[tilespmem:s21+$0x5870] =	vst v3  }
0xe4: {  	[tilespmem:s21+$0x5860] =	vst v2  }
0xe5: {  	[tilespmem:s21+$0x5850] =	vst v3  }
0xe6: {  	[tilespmem:s21+$0x5840] =	vst v2  }
0xe7: {  	[tilespmem:s21+$0x5830] =	vst v3  }
0xe8: {  	[tilespmem:s21+$0x5820] =	vst v2  }
0xe9: {  	[tilespmem:s21+$0x5810] =	vst v3  }
0xea: {  	[tilespmem:s21+$0x5800] =	vst v2  }
0xeb: {  	[tilespmem:s21+$0x5470] =	vst v3  }
0xec: {  	[tilespmem:s21+$0x5460] =	vst v2  }
0xed: {  	[tilespmem:s21+$0x5450] =	vst v3  }
0xee: {  	[tilespmem:s21+$0x5440] =	vst v2  }
0xef: {  	[tilespmem:s21+$0x5430] =	vst v3  }
0xf0: {  	[tilespmem:s21+$0x5420] =	vst v2  }
0xf1: {  	[tilespmem:s21+$0x5410] =	vst v3  }
0xf2: {  	[tilespmem:s21+$0x5400] =	vst v2  }
0xf3: {  	[tilespmem:s21+$0x5070] =	vst v3  }
0xf4: {  	[tilespmem:s21+$0x5060] =	vst v2  }
0xf5: {  	[tilespmem:s21+$0x5050] =	vst v3  }
0xf6: {  	[tilespmem:s21+$0x5040] =	vst v2  }
0xf7: {  	[tilespmem:s21+$0x5030] =	vst v3  }
0xf8: {  	[tilespmem:s21+$0x5020] =	vst v2  }
0xf9: {  	[tilespmem:s21+$0x5010] =	vst v3  }
0xfa: {  	[tilespmem:s21+$0x5000] =	vst v2  }
0xfb: {  	[tilespmem:s21+$0x4C70] =	vst v3  }
0xfc: {  	[tilespmem:s21+$0x4C60] =	vst v2  }
0xfd: {  	[tilespmem:s21+$0x4C50] =	vst v3  }
0xfe: {  	[tilespmem:s21+$0x4C40] =	vst v2  }
0xff: {  	[tilespmem:s21+$0x4C30] =	vst v3  }
0x100: {  	[tilespmem:s21+$0x4C20] =	vst v2  }
0x101: {  	[tilespmem:s21+$0x4C10] =	vst v3  }
0x102: {  	[tilespmem:s21+$0x4C00] =	vst v2  }
0x103: {  	[tilespmem:s21+$0x4870] =	vst v3  }
0x104: {  	[tilespmem:s21+$0x4860] =	vst v2  }
0x105: {  	[tilespmem:s21+$0x4850] =	vst v3  }
0x106: {  	[tilespmem:s21+$0x4840] =	vst v2  }
0x107: {  	[tilespmem:s21+$0x4830] =	vst v3  }
0x108: {  	[tilespmem:s21+$0x4820] =	vst v2  }
0x109: {  	[tilespmem:s21+$0x4810] =	vst v3  }
0x10a: {  	[tilespmem:s21+$0x4800] =	vst v2  }
0x10b: {  	[tilespmem:s21+$0x4470] =	vst v3  }
.Ltmp4:
0x10c: {  	[tilespmem:s21+$0x4460] =	vst v2;
	(pc) =	sbr.rel .LBB2_8-.Ltmp4, $4  }
0x10d: {  	[tilespmem:s21+$0x4450] =	vst v3  }
0x10e: {  	[tilespmem:s21+$0x5C50] =	vst v3  }
0x10f: {  	[tilespmem:s21+$0x5C60] =	vst v2  }
0x110: {  	[tilespmem:s21+$0x5C70] =	vst v3  }
.LBB2_5:
0x111: {  	s22 =	sadd.s32 s5, s21;
	s23 =	simm.s32 $0x20  }
0x112: {  	v2 =	vmov s22;
	v3 =	vmov s23  }
0x113: {  	v4 =	vshll.u32 v2, $0x3;
	v5 =	vshll.u32 v3, $0x8  }
0x114: {  	v3 =	vshll.u32 v3, $0x7;
	v4 =	vand.u32 $0xFFFFFC00, v4;
	v5 =	vand.u32 $0x3800, v5  }
0x115: {  	v6 =	vand.u32 $0x300, v3;
	v5 =	vadd.s32 v4, v5  }
0x116: {  	v3 =	vand.u32 $0x7F, v2;
	v2 =	vor.u32 v6, v5  }
0x117: {  	v5 =	vor.u32 v3, v2;
	_ =	sdelay $0x3  }
0x118: {  	s24 =	simm.s32 $0x21  }
0x119: {  	v8 =	vld.idx.msk [tilespmem:v5+s3+$0x0], $0xffff;
	v5 =	vmov s24  }
0x11a: {  	s26 =	sshll.u32 s21, $0x7;
	v6 =	vshll.u32 v5, $0x8  }
0x11b: {  	s22 =	sand.u32 $0x380, s26;
	v5 =	vshll.u32 v5, $0x7;
	v6 =	vand.u32 $0x3800, v6  }
0x11c: {  	s29 =	sshll.u32 s21, $0xA;
	v2 =	vmov s22;
	v5 =	vand.u32 $0x380, v5;
	v6 =	vadd.s32 v4, v6  }
0x11d: {  	s30 =	sand.u32 $0x2000, s29;
	s23 =	simm.s32 $0x0;
	v5 =	vor.u32 v5, v6  }
0x11e: {  	s31 =	sand.u32 $0x1C00, s23;
	s22 =	sor.u32 $0x4000, s30;
	v5 =	vor.u32 v3, v5  }
0x11f: {  	s25 =	sand.u32 $0x40, s23;
	s24 =	sadd.s32 s31, s22  }
0x120: {  	s26 =	simm.s32 $0x22;
	s28 =	sadd.s32 s25, s24  }
0x121: {  	v6 =	vmov s26;
	[tilespmem:v2+s28+$0x0 ss:$0x1] =	vst.idx.msk $0xffff, v8  }
0x122: {  	s25 =	simm.s32 $0x23;
	s24 =	simm.s32 $0x0;
	s26 =	simm.s32 $0x25;
	v7 =	vshll.u32 v6, $0x8;
	[tilespmem:v2+s28+$0x10 ss:$0x1] =	vst.idx.msk $0xffff, v8  }
.LBB2_6:
0x123: {  	p1 =	sne.s32 s26, $0x3F;
	v7 =	vand.u32 $0x3800, v7;
	v6 =	vshll.u32 v6, $0x7;
	v5 =	vld.idx.msk [tilespmem:v5+s3+$0x0], $0xffff  }
0x124: {  	v7 =	vadd.s32 v4, v7;
	v6 =	vand.u32 $0x300, v6  }
0x125: {  	v6 =	vor.u32 v6, v7  }
0x126: {  	v6 =	vor.u32 v3, v6;
	_ =	sdelay $0x2  }
0x127: {  	v7 =	vmov s25;
	s25 =	smov.u32 s26;
	[tilespmem:v2+s28+$0x20 ss:$0x1] =	vst.idx.msk $0xffff, v5  }
0x128: {  	v8 =	vshll.u32 v7, $0x8;
	[tilespmem:v2+s28+$0x30 ss:$0x1] =	vst.idx.msk $0xffff, v5  }
0x129: {  	v5 =	vand.u32 $0x3800, v8;
	v9 =	vld.idx.msk [tilespmem:v6+s3+$0x0], $0xffff;
	v6 =	vshll.u32 v7, $0x7  }
0x12a: {  	v5 =	vadd.s32 v4, v5;
	v6 =	vand.u32 $0x380, v6  }
0x12b: {  	s23 =	sadd.s32 $0x200, s23;
	v5 =	vor.u32 v6, v5  }
.Ltmp5:
0x12c: {  	s24 =	sadd.s32 $0x40, s24;
	s28 =	sand.u32 $0x1C00, s23;
	v5 =	vor.u32 v3, v5;
	(pc) =	sbr.rel @p1 .LBB2_6-.Ltmp5, $4  }
0x12d: {  	s29 =	sand.u32 $0x40, s24;
	s28 =	sadd.s32 s28, s22  }
0x12e: {  	s30 =	sadd.s32 $0xFFFFFFFF, s26;
	s28 =	sadd.s32 s29, s28  }
0x12f: {  	v6 =	vmov s30;
	[tilespmem:v2+s28+$0x0 ss:$0x1] =	vst.idx.msk $0xffff, v9  }
0x130: {  	s26 =	sadd.s32 $0x2, s26;
	v7 =	vshll.u32 v6, $0x8;
	[tilespmem:v2+s28+$0x10 ss:$0x1] =	vst.idx.msk $0xffff, v9  }
0x131: {  	_ =	sdelay $0x2  }
0x132: {  	v7 =	vand.u32 $0x3800, v7;
	v6 =	vshll.u32 v6, $0x7  }
0x133: {  	v5 =	vld.idx.msk [tilespmem:v5+s3+$0x0], $0xffff;
	v7 =	vadd.s32 v4, v7;
	v6 =	vand.u32 $0x300, v6  }
0x134: {  	v6 =	vor.u32 v6, v7  }
0x135: {  	v6 =	vor.u32 v3, v6;
	_ =	sdelay $0x1  }
0x136: {  	v60 =	vmov s25  }
0x137: {  	v8 =	vshll.u32 v60, $0x8;
	[tilespmem:v2+s28+$0x20 ss:$0x1] =	vst.idx.msk $0xffff, v5  }
0x138: {  	v61 =	vand.u32 $0x3800, v8;
	v7 =	vshll.u32 v60, $0x7;
	[tilespmem:v2+s28+$0x30 ss:$0x1] =	vst.idx.msk $0xffff, v5  }
0x139: {  	v62 =	vadd.s32 v4, v61;
	v63 =	vand.u32 $0x380, v7;
	v6 =	vld.idx.msk [tilespmem:v6+s3+$0x0], $0xffff  }
0x13a: {  	s23 =	sadd.s32 $0x200, s23;
	v4 =	vor.u32 v63, v62  }
0x13b: {  	s24 =	sadd.s32 $0x40, s24;
	s23 =	sand.u32 $0x1C00, s23;
	v3 =	vor.u32 v3, v4  }
0x13c: {  	s24 =	sand.u32 $0x40, s24;
	s22 =	sadd.s32 s23, s22  }
0x13d: {  	s22 =	sadd.s32 s24, s22  }
0x13e: {  	[tilespmem:v2+s22+$0x0 ss:$0x1] =	vst.idx.msk $0xffff, v6  }
0x13f: {  	[tilespmem:v2+s22+$0x10 ss:$0x1] =	vst.idx.msk $0xffff, v6  }
0x140: {  	s21 =	sadd.s32 $0x1, s21;
	v3 =	vld.idx.msk [tilespmem:v3+s3+$0x0], $0xffff  }
0x141: {  	p1 =	sne.s32 s21, $0x10  }
.Ltmp6:
0x142: {  	_ = 	snop;
	(pc) =	sbr.rel @p1 .LBB2_5-.Ltmp6, $4  }
.Ltmp7:
0x143: {  	_ = 	snop;
	(pc) =	sbr.rel @!p1 .LBB2_8-.Ltmp7, $4  }
0x144: {  	_ = 	snop  }
0x145: {  	[tilespmem:v2+s22+$0x20 ss:$0x1] =	vst.idx.msk $0xffff, v3  }
0x146: {  	[tilespmem:v2+s22+$0x30 ss:$0x1] =	vst.idx.msk $0xffff, v3  }
0x147: {  	_ = 	snop  }
.LBB2_9:
0x148: {  	_ =	sfence.sel $0x180000  }
0x149: {  	[bflag:$0x0] =	sbarrier.arrive $0xFFFF  }
0x14a: {  	p0 =	sne.s32 s4, $0x0;
	_ =	strace $0x90000047  }
0x14b: {  	s0 =	sadd.s32 @!p0 $0x100000, s2;
	[bflag:$0x2] =	sbarrier.arrive $0xFFFF  }
0x14c: {  	[sflag:s0] =	ssyncadd.tile.s32 @!p0 $0x1;
	_ =	shalt  }
.Lfunc_end2:
_tile_overlayer_lowered:
.L_overlay_start_2:
0x14d: {  	(tag) =	ssettag $0x2  }
0x14e: {  	s0 =	rddreg [dreg:$0x0];
	s2 =	stileid.u32  }
0x14f: {  	s1 =	rddreg [dreg:$0x1];
	p0 =	sne.s32 s2, $0x0  }
0x150: {  	s3 =	rddreg [dreg:$0x2];
	[bflag:$0x3] =	sbarrier.arrive $0xFFFF;
	s2 =	simm.s32 @!p0 $0x1C02  }
0x151: {  	[timem:s3], [sflag:s2] =	dma.local @!p0 [hbm:s0], s1  }
0x152: {  	s0 =	simm.s32 @!p0 $0x2  }
0x153: {  	_ =	swait.ge @!p0 [sflag:s0], s1  }
0x154: {  	s1 =	ssub.s32 @!p0 $0x0, s1;
	[sflag:s0] =	ssyncset.done @!p0 $0x0  }
0x155: {  	[sflag:s0] =	ssyncadd.s32 @!p0 s1  }
0x156: {  	[bflag:$0x3] =	sbarrier.arrive $0xFFFF  }
0x157: {  	_ =	shalt  }

</sc_bundles>
